<compile_context>
chip_gen: v7x
topology: tpu7x:2x2x1
jax: 0.10.2.dev20260603
libtpu: 0.0.44.dev20260713+nightly
codegen_flags: <defaults>
</compile_context>

<pallas_src>
import functools

import jax
import jax.numpy as jnp
from jax import lax
from jax.experimental import pallas as pl
from jax.experimental.pallas import tpu as pltpu
from jax.experimental.pallas import tpu_sc as plsc

_VOCAB = 1000000
_EMB = 32
_B = 16384
_L = 200

_LANES = 128
_TV_BLK = 65536

_NC, _NS, _SL = 2, 16, 16
_NW = _NC * _NS
_RPW = _B // _NW
_GPW = _RPW // _LANES
_ACCS = _LANES // _SL


def _tv_body(t_ref, w_ref, b_ref, o_ref):
    o_ref[...] = jnp.sum(t_ref[...] * w_ref[...], axis=0) + b_ref[0, 0]


def _compute_tv(tT, wl, bl):
    grid = (_VOCAB + _TV_BLK - 1) // _TV_BLK
    return pl.pallas_call(
        _tv_body,
        grid=(grid,),
        in_specs=[
            pl.BlockSpec((_EMB, _TV_BLK), lambda i: (0, i)),
            pl.BlockSpec((_EMB, 1), lambda i: (0, 0)),
            pl.BlockSpec(memory_space=pltpu.SMEM),
        ],
        out_specs=pl.BlockSpec((_TV_BLK,), lambda i: (i,)),
        out_shape=jax.ShapeDtypeStruct((_VOCAB,), jnp.float32),
    )(tT, wl, bl)


def _pool_body(tv_hbm, xT_hbm, out_hbm, idx_a, idx_b, val_a, val_b, out_v,
               sem_a, sem_b):
    wid = lax.axis_index("s") * _NC + lax.axis_index("c")
    col0 = wid * _RPW
    idxs, vals, sems = (idx_a, idx_b), (val_a, val_b), (sem_a, sem_b)

    def stage(j):
        b = j & 1
        pltpu.sync_copy(
            xT_hbm.at[:, pl.ds(col0 + j * _LANES, _LANES)], idxs[b]
        )

        def fire(l, u):
            pltpu.async_copy(
                tv_hbm.at[idxs[b].at[l]], vals[b].at[l], sems[b]
            )
            return u

        lax.fori_loop(0, _L, fire, 0)

    def drain_reduce(j):
        b = j & 1

        def drain(l, u):
            pltpu.make_async_copy(
                tv_hbm.at[pl.ds(0, _LANES)], vals[b].at[l], sems[b]
            ).wait()
            return u

        lax.fori_loop(0, _L, drain, 0)

        def red(l, accs):
            return tuple(
                accs[k] + vals[b][l, pl.ds(k * _SL, _SL)]
                for k in range(_ACCS)
            )

        zero = jnp.zeros((_SL,), jnp.float32)
        accs = lax.fori_loop(0, _L, red, (zero,) * _ACCS)
        for k in range(_ACCS):
            out_v[pl.ds(j * _LANES + k * _SL, _SL)] = accs[k]

    stage(0)
    for j in range(_GPW):
        if j + 1 < _GPW:
            stage(j + 1)
        drain_reduce(j)
    pltpu.sync_copy(out_v, out_hbm.at[pl.ds(col0, _RPW)])


def _pool_call(tv, xT):
    run = pl.kernel(
        _pool_body,
        mesh=plsc.VectorSubcoreMesh(core_axis_name="c", subcore_axis_name="s"),
        compiler_params=pltpu.CompilerParams(needs_layout_passes=False),
        out_type=jax.ShapeDtypeStruct((_B,), jnp.float32),
        scratch_types=[
            pltpu.VMEM((_L, _LANES), jnp.int32),
            pltpu.VMEM((_L, _LANES), jnp.int32),
            pltpu.VMEM((_L, _LANES), jnp.float32),
            pltpu.VMEM((_L, _LANES), jnp.float32),
            pltpu.VMEM((_RPW,), jnp.float32),
            pltpu.SemaphoreType.DMA,
            pltpu.SemaphoreType.DMA,
        ],
    )
    return run(tv, xT)


def kernel(x, table, W, b):
    xT = x.astype(jnp.int32).T
    tT = table.T
    wl = (W * (1.0 / _L)).reshape(_EMB, 1).astype(jnp.float32)
    bl = (b * (1.0 / _L)).reshape(1, 1).astype(jnp.float32)
    tv = _compute_tv(tT, wl, bl)
    out = _pool_call(tv, xT)
    return out.reshape(_B, 1)

# --- scband reference (transcript-rebuilt; emitter-appended) ---
"""Pipeline reference for scband-linear-classifier-59236188947251 (READ-ONLY COPY).

The authoritative reference and input builder live on the scoring server;
editing this copy changes nothing except your own understanding.
"""

import jax, jax.numpy as jnp
import numpy as np

VOCAB = 1000000
EMB = 32
B = 16384
L = 200

def setup_inputs(seed: int = 0) -> dict:
    key = jax.random.key(seed)
    k1, k2, k3, k4 = jax.random.split(key, 4)
    x = jax.random.randint(k1, (B, L), 0, VOCAB, dtype=jnp.int64 if jax.config.jax_enable_x64 else jnp.int32)
    table = jax.random.normal(k2, (VOCAB, EMB), dtype=jnp.float32)
    W = jax.random.normal(k3, (EMB, 1), dtype=jnp.float32) * (1.0 / np.sqrt(EMB))
    b = jax.random.normal(k4, (1,), dtype=jnp.float32) * 0.01
    return {"x": x, "table": table, "W": W, "b": b}

def reference(x, table, W, b):
    # nn.Embedding lookup: gather rows from table
    embs = jnp.take(table, x, axis=0)          # [B, L, EMB]
    embs = embs.mean(axis=1)                    # [B, EMB]
    logits = embs @ W + b                       # [B, 1]
    return logits

if __name__ == "__main__":
    import jax
    _d = setup_inputs()
    print(jax.jit(kernel)(*tuple(_d.values())))

</pallas_src>

<mosaic_0001>
#map = affine_map<(d0, d1) -> (0)>
#map1 = affine_map<(d0, d1) -> (0, 0)>
module attributes {stable_mosaic.version = 14 : i64} {
  func.func @_pool_body(%arg0: i32, %arg1: i32, %arg2: memref<1000000xf32, #tpu.memory_space<hbm>>, %arg3: memref<200x16384xi32, #tpu.memory_space<hbm>>, %arg4: memref<16384xf32, #tpu.memory_space<hbm>>, %arg5: memref<200x128xi32, #tpu.memory_space<vmem>>, %arg6: memref<200x128xi32, #tpu.memory_space<vmem>>, %arg7: memref<200x128xf32, #tpu.memory_space<vmem>>, %arg8: memref<200x128xf32, #tpu.memory_space<vmem>>, %arg9: memref<512xf32, #tpu.memory_space<vmem>>, %arg10: memref<!tpu.dma_semaphore, #tpu.memory_space<semaphore_mem>>, %arg11: memref<!tpu.dma_semaphore, #tpu.memory_space<semaphore_mem>>) attributes {dimension_semantics = [#tpu.dimension_semantics<core_parallel>, #tpu.dimension_semantics<subcore_parallel>], iteration_bounds = array<i64: 2, 16>, scalar_prefetch = 0 : i64, scratch_operands = 7 : i64, tpu.core_type = #tpu.core_type<sc_vector_subcore>, window_params = [{transform_indices = #map}, {transform_indices = #map1}, {transform_indices = #map}]} {
    %mul3A = arith.constant 2 : i32
    %mul3A_0 = arith.muli %arg1, %mul3A : i32
    %add3A = arith.addi %mul3A_0, %arg0 : i32
    %mul3A_1 = arith.constant 512 : i32
    %mul3A_2 = arith.muli %add3A, %mul3A_1 : i32
    %add3A_3 = arith.constant 0 : i32
    %add3A_4 = arith.addi %mul3A_2, %add3A_3 : i32
    "tpu.region"() ({
      %run_scoped3A = tpu.sem_alloc : memref<!tpu.dma_semaphore, #tpu.memory_space<semaphore_mem>>
      %dma_start3A = arith.constant 0 : i32
      %dma_start3A_152 = tpu.memref_slice %arg3[%dma_start3A, %add3A_4] : memref<200x16384xi32, #tpu.memory_space<hbm>> -> memref<200x128xi32, #tpu.memory_space<hbm>>
      %dma_start3A_153 = arith.constant 0 : i32
      %dma_start3A_154 = tpu.memref_slice %arg3[%dma_start3A_153, %add3A_4] : memref<200x16384xi32, #tpu.memory_space<hbm>> -> memref<200x128xi32, #tpu.memory_space<hbm>>
      tpu.enqueue_dma source(%dma_start3A_154 : memref<200x128xi32, #tpu.memory_space<hbm>>) target(%arg5 : memref<200x128xi32, #tpu.memory_space<vmem>>) target_semaphore(%run_scoped3A : memref<!tpu.dma_semaphore, #tpu.memory_space<semaphore_mem>>)
      %dma_wait3A = arith.constant 0 : i32
      %dma_wait3A_155 = tpu.memref_slice %arg3[%dma_wait3A, %add3A_4] : memref<200x16384xi32, #tpu.memory_space<hbm>> -> memref<200x128xi32, #tpu.memory_space<hbm>>
      %dma_wait3A_156 = arith.constant 0 : i32
      %dma_wait3A_157 = tpu.memref_slice %arg3[%dma_wait3A_156, %add3A_4] : memref<200x16384xi32, #tpu.memory_space<hbm>> -> memref<200x128xi32, #tpu.memory_space<hbm>>
      tpu.wait_dma2 semaphore(%run_scoped3A : memref<!tpu.dma_semaphore, #tpu.memory_space<semaphore_mem>>) src(%dma_wait3A_157 : memref<200x128xi32, #tpu.memory_space<hbm>>) dst(%arg5 : memref<200x128xi32, #tpu.memory_space<vmem>>)
      tpu.yield
    }) : () -> ()
    %scan3A = arith.constant 0 : i32
    %scan3A_5 = arith.constant 0 : i32
    %scan3A_6 = arith.constant 200 : i32
    %scan3A_7 = arith.addi %scan3A_5, %scan3A_6 : i32
    %scan3A_8 = arith.constant 1 : i32
    scf.for %scan3A_152 = %scan3A_5 to %scan3A_7 step %scan3A_8  : i32 {
      %dma_start3A = arith.constant 0 : i32
      %dma_start3A_153 = tpu.memref_slice %arg7[%scan3A_152, %dma_start3A] : memref<200x128xf32, #tpu.memory_space<vmem>> -> memref<1x128xf32, #tpu.memory_space<vmem>>
      %dma_start3A_154 = tpu.memref_squeeze %dma_start3A_153 : memref<1x128xf32, #tpu.memory_space<vmem>> -> memref<128xf32, #tpu.memory_space<vmem>>
      %dma_start3A_155 = arith.constant 0 : i32
      %dma_start3A_156 = tpu.memref_slice %arg5[%scan3A_152, %dma_start3A_155] : memref<200x128xi32, #tpu.memory_space<vmem>> -> memref<1x128xi32, #tpu.memory_space<vmem>>
      %dma_start3A_157 = tpu.memref_squeeze %dma_start3A_156 : memref<1x128xi32, #tpu.memory_space<vmem>> -> memref<128xi32, #tpu.memory_space<vmem>>
      %dma_start3A_158 = arith.constant 0 : i32
      %dma_start3A_159 = tpu.memref_slice %arg2[%dma_start3A_158] : memref<1000000xf32, #tpu.memory_space<hbm>> -> memref<1000000xf32, #tpu.memory_space<hbm>>
      tpu.enqueue_indirect_dma source(%dma_start3A_159 : memref<1000000xf32, #tpu.memory_space<hbm>>) target(%dma_start3A_154 : memref<128xf32, #tpu.memory_space<vmem>>) offsets(%dma_start3A_157 : memref<128xi32, #tpu.memory_space<vmem>>) semaphore(%arg10 : memref<!tpu.dma_semaphore, #tpu.memory_space<semaphore_mem>>)
    }
    %scan3A_9 = arith.constant 200 : i32
    %add3A_10 = arith.constant 128 : i32
    %add3A_11 = arith.addi %mul3A_2, %add3A_10 : i32
    "tpu.region"() ({
      %run_scoped3A = tpu.sem_alloc : memref<!tpu.dma_semaphore, #tpu.memory_space<semaphore_mem>>
      %dma_start3A = arith.constant 0 : i32
      %dma_start3A_152 = tpu.memref_slice %arg3[%dma_start3A, %add3A_11] : memref<200x16384xi32, #tpu.memory_space<hbm>> -> memref<200x128xi32, #tpu.memory_space<hbm>>
      %dma_start3A_153 = arith.constant 0 : i32
      %dma_start3A_154 = tpu.memref_slice %arg3[%dma_start3A_153, %add3A_11] : memref<200x16384xi32, #tpu.memory_space<hbm>> -> memref<200x128xi32, #tpu.memory_space<hbm>>
      tpu.enqueue_dma source(%dma_start3A_154 : memref<200x128xi32, #tpu.memory_space<hbm>>) target(%arg6 : memref<200x128xi32, #tpu.memory_space<vmem>>) target_semaphore(%run_scoped3A : memref<!tpu.dma_semaphore, #tpu.memory_space<semaphore_mem>>)
      %dma_wait3A = arith.constant 0 : i32
      %dma_wait3A_155 = tpu.memref_slice %arg3[%dma_wait3A, %add3A_11] : memref<200x16384xi32, #tpu.memory_space<hbm>> -> memref<200x128xi32, #tpu.memory_space<hbm>>
      %dma_wait3A_156 = arith.constant 0 : i32
      %dma_wait3A_157 = tpu.memref_slice %arg3[%dma_wait3A_156, %add3A_11] : memref<200x16384xi32, #tpu.memory_space<hbm>> -> memref<200x128xi32, #tpu.memory_space<hbm>>
      tpu.wait_dma2 semaphore(%run_scoped3A : memref<!tpu.dma_semaphore, #tpu.memory_space<semaphore_mem>>) src(%dma_wait3A_157 : memref<200x128xi32, #tpu.memory_space<hbm>>) dst(%arg6 : memref<200x128xi32, #tpu.memory_space<vmem>>)
      tpu.yield
    }) : () -> ()
    %scan3A_12 = arith.constant 0 : i32
    %scan3A_13 = arith.constant 0 : i32
    %scan3A_14 = arith.constant 200 : i32
    %scan3A_15 = arith.addi %scan3A_13, %scan3A_14 : i32
    %scan3A_16 = arith.constant 1 : i32
    scf.for %scan3A_152 = %scan3A_13 to %scan3A_15 step %scan3A_16  : i32 {
      %dma_start3A = arith.constant 0 : i32
      %dma_start3A_153 = tpu.memref_slice %arg8[%scan3A_152, %dma_start3A] : memref<200x128xf32, #tpu.memory_space<vmem>> -> memref<1x128xf32, #tpu.memory_space<vmem>>
      %dma_start3A_154 = tpu.memref_squeeze %dma_start3A_153 : memref<1x128xf32, #tpu.memory_space<vmem>> -> memref<128xf32, #tpu.memory_space<vmem>>
      %dma_start3A_155 = arith.constant 0 : i32
      %dma_start3A_156 = tpu.memref_slice %arg6[%scan3A_152, %dma_start3A_155] : memref<200x128xi32, #tpu.memory_space<vmem>> -> memref<1x128xi32, #tpu.memory_space<vmem>>
      %dma_start3A_157 = tpu.memref_squeeze %dma_start3A_156 : memref<1x128xi32, #tpu.memory_space<vmem>> -> memref<128xi32, #tpu.memory_space<vmem>>
      %dma_start3A_158 = arith.constant 0 : i32
      %dma_start3A_159 = tpu.memref_slice %arg2[%dma_start3A_158] : memref<1000000xf32, #tpu.memory_space<hbm>> -> memref<1000000xf32, #tpu.memory_space<hbm>>
      tpu.enqueue_indirect_dma source(%dma_start3A_159 : memref<1000000xf32, #tpu.memory_space<hbm>>) target(%dma_start3A_154 : memref<128xf32, #tpu.memory_space<vmem>>) offsets(%dma_start3A_157 : memref<128xi32, #tpu.memory_space<vmem>>) semaphore(%arg11 : memref<!tpu.dma_semaphore, #tpu.memory_space<semaphore_mem>>)
    }
    %scan3A_17 = arith.constant 200 : i32
    %scan3A_18 = arith.constant 0 : i32
    %scan3A_19 = arith.constant 0 : i32
    %scan3A_20 = arith.constant 200 : i32
    %scan3A_21 = arith.addi %scan3A_19, %scan3A_20 : i32
    %scan3A_22 = arith.constant 1 : i32
    scf.for %scan3A_152 = %scan3A_19 to %scan3A_21 step %scan3A_22  : i32 {
      %dma_wait3A = arith.constant 0 : i32
      %dma_wait3A_153 = tpu.memref_slice %arg7[%scan3A_152, %dma_wait3A] : memref<200x128xf32, #tpu.memory_space<vmem>> -> memref<1x128xf32, #tpu.memory_space<vmem>>
      %dma_wait3A_154 = tpu.memref_squeeze %dma_wait3A_153 : memref<1x128xf32, #tpu.memory_space<vmem>> -> memref<128xf32, #tpu.memory_space<vmem>>
      %dma_wait3A_155 = arith.constant 0 : i32
      %dma_wait3A_156 = tpu.memref_slice %arg2[%dma_wait3A_155] : memref<1000000xf32, #tpu.memory_space<hbm>> -> memref<128xf32, #tpu.memory_space<hbm>>
      %dma_wait3A_157 = arith.constant 0 : i32
      %dma_wait3A_158 = tpu.memref_slice %arg7[%scan3A_152, %dma_wait3A_157] : memref<200x128xf32, #tpu.memory_space<vmem>> -> memref<1x128xf32, #tpu.memory_space<vmem>>
      %dma_wait3A_159 = tpu.memref_squeeze %dma_wait3A_158 : memref<1x128xf32, #tpu.memory_space<vmem>> -> memref<128xf32, #tpu.memory_space<vmem>>
      %dma_wait3A_160 = arith.constant 0 : i32
      %dma_wait3A_161 = tpu.memref_slice %arg2[%dma_wait3A_160] : memref<1000000xf32, #tpu.memory_space<hbm>> -> memref<128xf32, #tpu.memory_space<hbm>>
      tpu.wait_dma2 semaphore(%arg10 : memref<!tpu.dma_semaphore, #tpu.memory_space<semaphore_mem>>) src(%dma_wait3A_161 : memref<128xf32, #tpu.memory_space<hbm>>) dst(%dma_wait3A_159 : memref<128xf32, #tpu.memory_space<vmem>>)
    }
    %scan3A_23 = arith.constant 200 : i32
    %broadcast_in_dim3A = arith.constant 0.000000e+00 : f32
    %broadcast_in_dim3A_24 = vector.broadcast %broadcast_in_dim3A : f32 to vector<16xf32>
    %scan3A_25 = arith.constant 0 : i32
    %scan3A_26 = arith.constant 200 : i32
    %scan3A_27 = arith.addi %scan3A_25, %scan3A_26 : i32
    %scan3A_28 = arith.constant 1 : i32
    %scan3A_29:8 = scf.for %scan3A_152 = %scan3A_25 to %scan3A_27 step %scan3A_28 iter_args(%scan3A_153 = %broadcast_in_dim3A_24, %scan3A_154 = %broadcast_in_dim3A_24, %scan3A_155 = %broadcast_in_dim3A_24, %scan3A_156 = %broadcast_in_dim3A_24, %scan3A_157 = %broadcast_in_dim3A_24, %scan3A_158 = %broadcast_in_dim3A_24, %scan3A_159 = %broadcast_in_dim3A_24, %scan3A_160 = %broadcast_in_dim3A_24) -> (vector<16xf32>, vector<16xf32>, vector<16xf32>, vector<16xf32>, vector<16xf32>, vector<16xf32>, vector<16xf32>, vector<16xf32>)  : i32 {
      %get3A = arith.index_cast %scan3A_152 : i32 to index
      %get3A_161 = arith.constant 0 : index
      %get3A_162 = tpu.vector_load %arg7[%get3A, %get3A_161] {strides = array<i32>} : memref<200x128xf32, #tpu.memory_space<vmem>>, vector<16xf32>,
      %add3A_163 = arith.addf %scan3A_153, %get3A_162 : vector<16xf32>
      %get3A_164 = arith.index_cast %scan3A_152 : i32 to index
      %get3A_165 = arith.constant 16 : index
      %get3A_166 = tpu.vector_load %arg7[%get3A_164, %get3A_165] {strides = array<i32>} : memref<200x128xf32, #tpu.memory_space<vmem>>, vector<16xf32>,
      %add3A_167 = arith.addf %scan3A_154, %get3A_166 : vector<16xf32>
      %get3A_168 = arith.index_cast %scan3A_152 : i32 to index
      %get3A_169 = arith.constant 32 : index
      %get3A_170 = tpu.vector_load %arg7[%get3A_168, %get3A_169] {strides = array<i32>} : memref<200x128xf32, #tpu.memory_space<vmem>>, vector<16xf32>,
      %add3A_171 = arith.addf %scan3A_155, %get3A_170 : vector<16xf32>
      %get3A_172 = arith.index_cast %scan3A_152 : i32 to index
      %get3A_173 = arith.constant 48 : index
      %get3A_174 = tpu.vector_load %arg7[%get3A_172, %get3A_173] {strides = array<i32>} : memref<200x128xf32, #tpu.memory_space<vmem>>, vector<16xf32>,
      %add3A_175 = arith.addf %scan3A_156, %get3A_174 : vector<16xf32>
      %get3A_176 = arith.index_cast %scan3A_152 : i32 to index
      %get3A_177 = arith.constant 64 : index
      %get3A_178 = tpu.vector_load %arg7[%get3A_176, %get3A_177] {strides = array<i32>} : memref<200x128xf32, #tpu.memory_space<vmem>>, vector<16xf32>,
      %add3A_179 = arith.addf %scan3A_157, %get3A_178 : vector<16xf32>
      %get3A_180 = arith.index_cast %scan3A_152 : i32 to index
      %get3A_181 = arith.constant 80 : index
      %get3A_182 = tpu.vector_load %arg7[%get3A_180, %get3A_181] {strides = array<i32>} : memref<200x128xf32, #tpu.memory_space<vmem>>, vector<16xf32>,
      %add3A_183 = arith.addf %scan3A_158, %get3A_182 : vector<16xf32>
      %get3A_184 = arith.index_cast %scan3A_152 : i32 to index
      %get3A_185 = arith.constant 96 : index
      %get3A_186 = tpu.vector_load %arg7[%get3A_184, %get3A_185] {strides = array<i32>} : memref<200x128xf32, #tpu.memory_space<vmem>>, vector<16xf32>,
      %add3A_187 = arith.addf %scan3A_159, %get3A_186 : vector<16xf32>
      %get3A_188 = arith.index_cast %scan3A_152 : i32 to index
      %get3A_189 = arith.constant 112 : index
      %get3A_190 = tpu.vector_load %arg7[%get3A_188, %get3A_189] {strides = array<i32>} : memref<200x128xf32, #tpu.memory_space<vmem>>, vector<16xf32>,
      %add3A_191 = arith.addf %scan3A_160, %get3A_190 : vector<16xf32>
      scf.yield %add3A_163, %add3A_167, %add3A_171, %add3A_175, %add3A_179, %add3A_183, %add3A_187, %add3A_191 : vector<16xf32>, vector<16xf32>, vector<16xf32>, vector<16xf32>, vector<16xf32>, vector<16xf32>, vector<16xf32>, vector<16xf32>
    }
    %scan3A_30 = arith.constant 200 : i32
    %swap3A = arith.constant 0 : index
    %swap3A_31 = tpu.vector_load %arg9[%swap3A] {strides = array<i32>} : memref<512xf32, #tpu.memory_space<vmem>>, vector<16xf32>,
    tpu.vector_store %arg9[%swap3A], %scan3A_29#0 {strides = array<i32>} : memref<512xf32, #tpu.memory_space<vmem>>, vector<16xf32>,
    %swap3A_32 = arith.constant 16 : index
    %swap3A_33 = tpu.vector_load %arg9[%swap3A_32] {strides = array<i32>} : memref<512xf32, #tpu.memory_space<vmem>>, vector<16xf32>,
    tpu.vector_store %arg9[%swap3A_32], %scan3A_29#1 {strides = array<i32>} : memref<512xf32, #tpu.memory_space<vmem>>, vector<16xf32>,
    %swap3A_34 = arith.constant 32 : index
    %swap3A_35 = tpu.vector_load %arg9[%swap3A_34] {strides = array<i32>} : memref<512xf32, #tpu.memory_space<vmem>>, vector<16xf32>,
    tpu.vector_store %arg9[%swap3A_34], %scan3A_29#2 {strides = array<i32>} : memref<512xf32, #tpu.memory_space<vmem>>, vector<16xf32>,
    %swap3A_36 = arith.constant 48 : index
    %swap3A_37 = tpu.vector_load %arg9[%swap3A_36] {strides = array<i32>} : memref<512xf32, #tpu.memory_space<vmem>>, vector<16xf32>,
    tpu.vector_store %arg9[%swap3A_36], %scan3A_29#3 {strides = array<i32>} : memref<512xf32, #tpu.memory_space<vmem>>, vector<16xf32>,
    %swap3A_38 = arith.constant 64 : index
    %swap3A_39 = tpu.vector_load %arg9[%swap3A_38] {strides = array<i32>} : memref<512xf32, #tpu.memory_space<vmem>>, vector<16xf32>,
    tpu.vector_store %arg9[%swap3A_38], %scan3A_29#4 {strides = array<i32>} : memref<512xf32, #tpu.memory_space<vmem>>, vector<16xf32>,
    %swap3A_40 = arith.constant 80 : index
    %swap3A_41 = tpu.vector_load %arg9[%swap3A_40] {strides = array<i32>} : memref<512xf32, #tpu.memory_space<vmem>>, vector<16xf32>,
    tpu.vector_store %arg9[%swap3A_40], %scan3A_29#5 {strides = array<i32>} : memref<512xf32, #tpu.memory_space<vmem>>, vector<16xf32>,
    %swap3A_42 = arith.constant 96 : index
    %swap3A_43 = tpu.vector_load %arg9[%swap3A_42] {strides = array<i32>} : memref<512xf32, #tpu.memory_space<vmem>>, vector<16xf32>,
    tpu.vector_store %arg9[%swap3A_42], %scan3A_29#6 {strides = array<i32>} : memref<512xf32, #tpu.memory_space<vmem>>, vector<16xf32>,
    %swap3A_44 = arith.constant 112 : index
    %swap3A_45 = tpu.vector_load %arg9[%swap3A_44] {strides = array<i32>} : memref<512xf32, #tpu.memory_space<vmem>>, vector<16xf32>,
    tpu.vector_store %arg9[%swap3A_44], %scan3A_29#7 {strides = array<i32>} : memref<512xf32, #tpu.memory_space<vmem>>, vector<16xf32>,
    %add3A_46 = arith.constant 256 : i32
    %add3A_47 = arith.addi %mul3A_2, %add3A_46 : i32
    "tpu.region"() ({
      %run_scoped3A = tpu.sem_alloc : memref<!tpu.dma_semaphore, #tpu.memory_space<semaphore_mem>>
      %dma_start3A = arith.constant 0 : i32
      %dma_start3A_152 = tpu.memref_slice %arg3[%dma_start3A, %add3A_47] : memref<200x16384xi32, #tpu.memory_space<hbm>> -> memref<200x128xi32, #tpu.memory_space<hbm>>
      %dma_start3A_153 = arith.constant 0 : i32
      %dma_start3A_154 = tpu.memref_slice %arg3[%dma_start3A_153, %add3A_47] : memref<200x16384xi32, #tpu.memory_space<hbm>> -> memref<200x128xi32, #tpu.memory_space<hbm>>
      tpu.enqueue_dma source(%dma_start3A_154 : memref<200x128xi32, #tpu.memory_space<hbm>>) target(%arg5 : memref<200x128xi32, #tpu.memory_space<vmem>>) target_semaphore(%run_scoped3A : memref<!tpu.dma_semaphore, #tpu.memory_space<semaphore_mem>>)
      %dma_wait3A = arith.constant 0 : i32
      %dma_wait3A_155 = tpu.memref_slice %arg3[%dma_wait3A, %add3A_47] : memref<200x16384xi32, #tpu.memory_space<hbm>> -> memref<200x128xi32, #tpu.memory_space<hbm>>
      %dma_wait3A_156 = arith.constant 0 : i32
      %dma_wait3A_157 = tpu.memref_slice %arg3[%dma_wait3A_156, %add3A_47] : memref<200x16384xi32, #tpu.memory_space<hbm>> -> memref<200x128xi32, #tpu.memory_space<hbm>>
      tpu.wait_dma2 semaphore(%run_scoped3A : memref<!tpu.dma_semaphore, #tpu.memory_space<semaphore_mem>>) src(%dma_wait3A_157 : memref<200x128xi32, #tpu.memory_space<hbm>>) dst(%arg5 : memref<200x128xi32, #tpu.memory_space<vmem>>)
      tpu.yield
    }) : () -> ()
    %scan3A_48 = arith.constant 0 : i32
    %scan3A_49 = arith.constant 0 : i32
    %scan3A_50 = arith.constant 200 : i32
    %scan3A_51 = arith.addi %scan3A_49, %scan3A_50 : i32
    %scan3A_52 = arith.constant 1 : i32
    scf.for %scan3A_152 = %scan3A_49 to %scan3A_51 step %scan3A_52  : i32 {
      %dma_start3A = arith.constant 0 : i32
      %dma_start3A_153 = tpu.memref_slice %arg7[%scan3A_152, %dma_start3A] : memref<200x128xf32, #tpu.memory_space<vmem>> -> memref<1x128xf32, #tpu.memory_space<vmem>>
      %dma_start3A_154 = tpu.memref_squeeze %dma_start3A_153 : memref<1x128xf32, #tpu.memory_space<vmem>> -> memref<128xf32, #tpu.memory_space<vmem>>
      %dma_start3A_155 = arith.constant 0 : i32
      %dma_start3A_156 = tpu.memref_slice %arg5[%scan3A_152, %dma_start3A_155] : memref<200x128xi32, #tpu.memory_space<vmem>> -> memref<1x128xi32, #tpu.memory_space<vmem>>
      %dma_start3A_157 = tpu.memref_squeeze %dma_start3A_156 : memref<1x128xi32, #tpu.memory_space<vmem>> -> memref<128xi32, #tpu.memory_space<vmem>>
      %dma_start3A_158 = arith.constant 0 : i32
      %dma_start3A_159 = tpu.memref_slice %arg2[%dma_start3A_158] : memref<1000000xf32, #tpu.memory_space<hbm>> -> memref<1000000xf32, #tpu.memory_space<hbm>>
      tpu.enqueue_indirect_dma source(%dma_start3A_159 : memref<1000000xf32, #tpu.memory_space<hbm>>) target(%dma_start3A_154 : memref<128xf32, #tpu.memory_space<vmem>>) offsets(%dma_start3A_157 : memref<128xi32, #tpu.memory_space<vmem>>) semaphore(%arg10 : memref<!tpu.dma_semaphore, #tpu.memory_space<semaphore_mem>>)
    }
    %scan3A_53 = arith.constant 200 : i32
    %scan3A_54 = arith.constant 0 : i32
    %scan3A_55 = arith.constant 0 : i32
    %scan3A_56 = arith.constant 200 : i32
    %scan3A_57 = arith.addi %scan3A_55, %scan3A_56 : i32
    %scan3A_58 = arith.constant 1 : i32
    scf.for %scan3A_152 = %scan3A_55 to %scan3A_57 step %scan3A_58  : i32 {
      %dma_wait3A = arith.constant 0 : i32
      %dma_wait3A_153 = tpu.memref_slice %arg8[%scan3A_152, %dma_wait3A] : memref<200x128xf32, #tpu.memory_space<vmem>> -> memref<1x128xf32, #tpu.memory_space<vmem>>
      %dma_wait3A_154 = tpu.memref_squeeze %dma_wait3A_153 : memref<1x128xf32, #tpu.memory_space<vmem>> -> memref<128xf32, #tpu.memory_space<vmem>>
      %dma_wait3A_155 = arith.constant 0 : i32
      %dma_wait3A_156 = tpu.memref_slice %arg2[%dma_wait3A_155] : memref<1000000xf32, #tpu.memory_space<hbm>> -> memref<128xf32, #tpu.memory_space<hbm>>
      %dma_wait3A_157 = arith.constant 0 : i32
      %dma_wait3A_158 = tpu.memref_slice %arg8[%scan3A_152, %dma_wait3A_157] : memref<200x128xf32, #tpu.memory_space<vmem>> -> memref<1x128xf32, #tpu.memory_space<vmem>>
      %dma_wait3A_159 = tpu.memref_squeeze %dma_wait3A_158 : memref<1x128xf32, #tpu.memory_space<vmem>> -> memref<128xf32, #tpu.memory_space<vmem>>
      %dma_wait3A_160 = arith.constant 0 : i32
      %dma_wait3A_161 = tpu.memref_slice %arg2[%dma_wait3A_160] : memref<1000000xf32, #tpu.memory_space<hbm>> -> memref<128xf32, #tpu.memory_space<hbm>>
      tpu.wait_dma2 semaphore(%arg11 : memref<!tpu.dma_semaphore, #tpu.memory_space<semaphore_mem>>) src(%dma_wait3A_161 : memref<128xf32, #tpu.memory_space<hbm>>) dst(%dma_wait3A_159 : memref<128xf32, #tpu.memory_space<vmem>>)
    }
    %scan3A_59 = arith.constant 200 : i32
    %broadcast_in_dim3A_60 = arith.constant 0.000000e+00 : f32
    %broadcast_in_dim3A_61 = vector.broadcast %broadcast_in_dim3A_60 : f32 to vector<16xf32>
    %scan3A_62 = arith.constant 0 : i32
    %scan3A_63 = arith.constant 200 : i32
    %scan3A_64 = arith.addi %scan3A_62, %scan3A_63 : i32
    %scan3A_65 = arith.constant 1 : i32
    %scan3A_66:8 = scf.for %scan3A_152 = %scan3A_62 to %scan3A_64 step %scan3A_65 iter_args(%scan3A_153 = %broadcast_in_dim3A_61, %scan3A_154 = %broadcast_in_dim3A_61, %scan3A_155 = %broadcast_in_dim3A_61, %scan3A_156 = %broadcast_in_dim3A_61, %scan3A_157 = %broadcast_in_dim3A_61, %scan3A_158 = %broadcast_in_dim3A_61, %scan3A_159 = %broadcast_in_dim3A_61, %scan3A_160 = %broadcast_in_dim3A_61) -> (vector<16xf32>, vector<16xf32>, vector<16xf32>, vector<16xf32>, vector<16xf32>, vector<16xf32>, vector<16xf32>, vector<16xf32>)  : i32 {
      %get3A = arith.index_cast %scan3A_152 : i32 to index
      %get3A_161 = arith.constant 0 : index
      %get3A_162 = tpu.vector_load %arg8[%get3A, %get3A_161] {strides = array<i32>} : memref<200x128xf32, #tpu.memory_space<vmem>>, vector<16xf32>,
      %add3A_163 = arith.addf %scan3A_153, %get3A_162 : vector<16xf32>
      %get3A_164 = arith.index_cast %scan3A_152 : i32 to index
      %get3A_165 = arith.constant 16 : index
      %get3A_166 = tpu.vector_load %arg8[%get3A_164, %get3A_165] {strides = array<i32>} : memref<200x128xf32, #tpu.memory_space<vmem>>, vector<16xf32>,
      %add3A_167 = arith.addf %scan3A_154, %get3A_166 : vector<16xf32>
      %get3A_168 = arith.index_cast %scan3A_152 : i32 to index
      %get3A_169 = arith.constant 32 : index
      %get3A_170 = tpu.vector_load %arg8[%get3A_168, %get3A_169] {strides = array<i32>} : memref<200x128xf32, #tpu.memory_space<vmem>>, vector<16xf32>,
      %add3A_171 = arith.addf %scan3A_155, %get3A_170 : vector<16xf32>
      %get3A_172 = arith.index_cast %scan3A_152 : i32 to index
      %get3A_173 = arith.constant 48 : index
      %get3A_174 = tpu.vector_load %arg8[%get3A_172, %get3A_173] {strides = array<i32>} : memref<200x128xf32, #tpu.memory_space<vmem>>, vector<16xf32>,
      %add3A_175 = arith.addf %scan3A_156, %get3A_174 : vector<16xf32>
      %get3A_176 = arith.index_cast %scan3A_152 : i32 to index
      %get3A_177 = arith.constant 64 : index
      %get3A_178 = tpu.vector_load %arg8[%get3A_176, %get3A_177] {strides = array<i32>} : memref<200x128xf32, #tpu.memory_space<vmem>>, vector<16xf32>,
      %add3A_179 = arith.addf %scan3A_157, %get3A_178 : vector<16xf32>
      %get3A_180 = arith.index_cast %scan3A_152 : i32 to index
      %get3A_181 = arith.constant 80 : index
      %get3A_182 = tpu.vector_load %arg8[%get3A_180, %get3A_181] {strides = array<i32>} : memref<200x128xf32, #tpu.memory_space<vmem>>, vector<16xf32>,
      %add3A_183 = arith.addf %scan3A_158, %get3A_182 : vector<16xf32>
      %get3A_184 = arith.index_cast %scan3A_152 : i32 to index
      %get3A_185 = arith.constant 96 : index
      %get3A_186 = tpu.vector_load %arg8[%get3A_184, %get3A_185] {strides = array<i32>} : memref<200x128xf32, #tpu.memory_space<vmem>>, vector<16xf32>,
      %add3A_187 = arith.addf %scan3A_159, %get3A_186 : vector<16xf32>
      %get3A_188 = arith.index_cast %scan3A_152 : i32 to index
      %get3A_189 = arith.constant 112 : index
      %get3A_190 = tpu.vector_load %arg8[%get3A_188, %get3A_189] {strides = array<i32>} : memref<200x128xf32, #tpu.memory_space<vmem>>, vector<16xf32>,
      %add3A_191 = arith.addf %scan3A_160, %get3A_190 : vector<16xf32>
      scf.yield %add3A_163, %add3A_167, %add3A_171, %add3A_175, %add3A_179, %add3A_183, %add3A_187, %add3A_191 : vector<16xf32>, vector<16xf32>, vector<16xf32>, vector<16xf32>, vector<16xf32>, vector<16xf32>, vector<16xf32>, vector<16xf32>
    }
    %scan3A_67 = arith.constant 200 : i32
    %swap3A_68 = arith.constant 128 : index
    %swap3A_69 = tpu.vector_load %arg9[%swap3A_68] {strides = array<i32>} : memref<512xf32, #tpu.memory_space<vmem>>, vector<16xf32>,
    tpu.vector_store %arg9[%swap3A_68], %scan3A_66#0 {strides = array<i32>} : memref<512xf32, #tpu.memory_space<vmem>>, vector<16xf32>,
    %swap3A_70 = arith.constant 144 : index
    %swap3A_71 = tpu.vector_load %arg9[%swap3A_70] {strides = array<i32>} : memref<512xf32, #tpu.memory_space<vmem>>, vector<16xf32>,
    tpu.vector_store %arg9[%swap3A_70], %scan3A_66#1 {strides = array<i32>} : memref<512xf32, #tpu.memory_space<vmem>>, vector<16xf32>,
    %swap3A_72 = arith.constant 160 : index
    %swap3A_73 = tpu.vector_load %arg9[%swap3A_72] {strides = array<i32>} : memref<512xf32, #tpu.memory_space<vmem>>, vector<16xf32>,
    tpu.vector_store %arg9[%swap3A_72], %scan3A_66#2 {strides = array<i32>} : memref<512xf32, #tpu.memory_space<vmem>>, vector<16xf32>,
    %swap3A_74 = arith.constant 176 : index
    %swap3A_75 = tpu.vector_load %arg9[%swap3A_74] {strides = array<i32>} : memref<512xf32, #tpu.memory_space<vmem>>, vector<16xf32>,
    tpu.vector_store %arg9[%swap3A_74], %scan3A_66#3 {strides = array<i32>} : memref<512xf32, #tpu.memory_space<vmem>>, vector<16xf32>,
    %swap3A_76 = arith.constant 192 : index
    %swap3A_77 = tpu.vector_load %arg9[%swap3A_76] {strides = array<i32>} : memref<512xf32, #tpu.memory_space<vmem>>, vector<16xf32>,
    tpu.vector_store %arg9[%swap3A_76], %scan3A_66#4 {strides = array<i32>} : memref<512xf32, #tpu.memory_space<vmem>>, vector<16xf32>,
    %swap3A_78 = arith.constant 208 : index
    %swap3A_79 = tpu.vector_load %arg9[%swap3A_78] {strides = array<i32>} : memref<512xf32, #tpu.memory_space<vmem>>, vector<16xf32>,
    tpu.vector_store %arg9[%swap3A_78], %scan3A_66#5 {strides = array<i32>} : memref<512xf32, #tpu.memory_space<vmem>>, vector<16xf32>,
    %swap3A_80 = arith.constant 224 : index
    %swap3A_81 = tpu.vector_load %arg9[%swap3A_80] {strides = array<i32>} : memref<512xf32, #tpu.memory_space<vmem>>, vector<16xf32>,
    tpu.vector_store %arg9[%swap3A_80], %scan3A_66#6 {strides = array<i32>} : memref<512xf32, #tpu.memory_space<vmem>>, vector<16xf32>,
    %swap3A_82 = arith.constant 240 : index
    %swap3A_83 = tpu.vector_load %arg9[%swap3A_82] {strides = array<i32>} : memref<512xf32, #tpu.memory_space<vmem>>, vector<16xf32>,
    tpu.vector_store %arg9[%swap3A_82], %scan3A_66#7 {strides = array<i32>} : memref<512xf32, #tpu.memory_space<vmem>>, vector<16xf32>,
    %add3A_84 = arith.constant 384 : i32
    %add3A_85 = arith.addi %mul3A_2, %add3A_84 : i32
    "tpu.region"() ({
      %run_scoped3A = tpu.sem_alloc : memref<!tpu.dma_semaphore, #tpu.memory_space<semaphore_mem>>
      %dma_start3A = arith.constant 0 : i32
      %dma_start3A_152 = tpu.memref_slice %arg3[%dma_start3A, %add3A_85] : memref<200x16384xi32, #tpu.memory_space<hbm>> -> memref<200x128xi32, #tpu.memory_space<hbm>>
      %dma_start3A_153 = arith.constant 0 : i32
      %dma_start3A_154 = tpu.memref_slice %arg3[%dma_start3A_153, %add3A_85] : memref<200x16384xi32, #tpu.memory_space<hbm>> -> memref<200x128xi32, #tpu.memory_space<hbm>>
      tpu.enqueue_dma source(%dma_start3A_154 : memref<200x128xi32, #tpu.memory_space<hbm>>) target(%arg6 : memref<200x128xi32, #tpu.memory_space<vmem>>) target_semaphore(%run_scoped3A : memref<!tpu.dma_semaphore, #tpu.memory_space<semaphore_mem>>)
      %dma_wait3A = arith.constant 0 : i32
      %dma_wait3A_155 = tpu.memref_slice %arg3[%dma_wait3A, %add3A_85] : memref<200x16384xi32, #tpu.memory_space<hbm>> -> memref<200x128xi32, #tpu.memory_space<hbm>>
      %dma_wait3A_156 = arith.constant 0 : i32
      %dma_wait3A_157 = tpu.memref_slice %arg3[%dma_wait3A_156, %add3A_85] : memref<200x16384xi32, #tpu.memory_space<hbm>> -> memref<200x128xi32, #tpu.memory_space<hbm>>
      tpu.wait_dma2 semaphore(%run_scoped3A : memref<!tpu.dma_semaphore, #tpu.memory_space<semaphore_mem>>) src(%dma_wait3A_157 : memref<200x128xi32, #tpu.memory_space<hbm>>) dst(%arg6 : memref<200x128xi32, #tpu.memory_space<vmem>>)
      tpu.yield
    }) : () -> ()
    %scan3A_86 = arith.constant 0 : i32
    %scan3A_87 = arith.constant 0 : i32
    %scan3A_88 = arith.constant 200 : i32
    %scan3A_89 = arith.addi %scan3A_87, %scan3A_88 : i32
    %scan3A_90 = arith.constant 1 : i32
    scf.for %scan3A_152 = %scan3A_87 to %scan3A_89 step %scan3A_90  : i32 {
      %dma_start3A = arith.constant 0 : i32
      %dma_start3A_153 = tpu.memref_slice %arg8[%scan3A_152, %dma_start3A] : memref<200x128xf32, #tpu.memory_space<vmem>> -> memref<1x128xf32, #tpu.memory_space<vmem>>
      %dma_start3A_154 = tpu.memref_squeeze %dma_start3A_153 : memref<1x128xf32, #tpu.memory_space<vmem>> -> memref<128xf32, #tpu.memory_space<vmem>>
      %dma_start3A_155 = arith.constant 0 : i32
      %dma_start3A_156 = tpu.memref_slice %arg6[%scan3A_152, %dma_start3A_155] : memref<200x128xi32, #tpu.memory_space<vmem>> -> memref<1x128xi32, #tpu.memory_space<vmem>>
      %dma_start3A_157 = tpu.memref_squeeze %dma_start3A_156 : memref<1x128xi32, #tpu.memory_space<vmem>> -> memref<128xi32, #tpu.memory_space<vmem>>
      %dma_start3A_158 = arith.constant 0 : i32
      %dma_start3A_159 = tpu.memref_slice %arg2[%dma_start3A_158] : memref<1000000xf32, #tpu.memory_space<hbm>> -> memref<1000000xf32, #tpu.memory_space<hbm>>
      tpu.enqueue_indirect_dma source(%dma_start3A_159 : memref<1000000xf32, #tpu.memory_space<hbm>>) target(%dma_start3A_154 : memref<128xf32, #tpu.memory_space<vmem>>) offsets(%dma_start3A_157 : memref<128xi32, #tpu.memory_space<vmem>>) semaphore(%arg11 : memref<!tpu.dma_semaphore, #tpu.memory_space<semaphore_mem>>)
    }
    %scan3A_91 = arith.constant 200 : i32
    %scan3A_92 = arith.constant 0 : i32
    %scan3A_93 = arith.constant 0 : i32
    %scan3A_94 = arith.constant 200 : i32
    %scan3A_95 = arith.addi %scan3A_93, %scan3A_94 : i32
    %scan3A_96 = arith.constant 1 : i32
    scf.for %scan3A_152 = %scan3A_93 to %scan3A_95 step %scan3A_96  : i32 {
      %dma_wait3A = arith.constant 0 : i32
      %dma_wait3A_153 = tpu.memref_slice %arg7[%scan3A_152, %dma_wait3A] : memref<200x128xf32, #tpu.memory_space<vmem>> -> memref<1x128xf32, #tpu.memory_space<vmem>>
      %dma_wait3A_154 = tpu.memref_squeeze %dma_wait3A_153 : memref<1x128xf32, #tpu.memory_space<vmem>> -> memref<128xf32, #tpu.memory_space<vmem>>
      %dma_wait3A_155 = arith.constant 0 : i32
      %dma_wait3A_156 = tpu.memref_slice %arg2[%dma_wait3A_155] : memref<1000000xf32, #tpu.memory_space<hbm>> -> memref<128xf32, #tpu.memory_space<hbm>>
      %dma_wait3A_157 = arith.constant 0 : i32
      %dma_wait3A_158 = tpu.memref_slice %arg7[%scan3A_152, %dma_wait3A_157] : memref<200x128xf32, #tpu.memory_space<vmem>> -> memref<1x128xf32, #tpu.memory_space<vmem>>
      %dma_wait3A_159 = tpu.memref_squeeze %dma_wait3A_158 : memref<1x128xf32, #tpu.memory_space<vmem>> -> memref<128xf32, #tpu.memory_space<vmem>>
      %dma_wait3A_160 = arith.constant 0 : i32
      %dma_wait3A_161 = tpu.memref_slice %arg2[%dma_wait3A_160] : memref<1000000xf32, #tpu.memory_space<hbm>> -> memref<128xf32, #tpu.memory_space<hbm>>
      tpu.wait_dma2 semaphore(%arg10 : memref<!tpu.dma_semaphore, #tpu.memory_space<semaphore_mem>>) src(%dma_wait3A_161 : memref<128xf32, #tpu.memory_space<hbm>>) dst(%dma_wait3A_159 : memref<128xf32, #tpu.memory_space<vmem>>)
    }
    %scan3A_97 = arith.constant 200 : i32
    %broadcast_in_dim3A_98 = arith.constant 0.000000e+00 : f32
    %broadcast_in_dim3A_99 = vector.broadcast %broadcast_in_dim3A_98 : f32 to vector<16xf32>
    %scan3A_100 = arith.constant 0 : i32
    %scan3A_101 = arith.constant 200 : i32
    %scan3A_102 = arith.addi %scan3A_100, %scan3A_101 : i32
    %scan3A_103 = arith.constant 1 : i32
    %scan3A_104:8 = scf.for %scan3A_152 = %scan3A_100 to %scan3A_102 step %scan3A_103 iter_args(%scan3A_153 = %broadcast_in_dim3A_99, %scan3A_154 = %broadcast_in_dim3A_99, %scan3A_155 = %broadcast_in_dim3A_99, %scan3A_156 = %broadcast_in_dim3A_99, %scan3A_157 = %broadcast_in_dim3A_99, %scan3A_158 = %broadcast_in_dim3A_99, %scan3A_159 = %broadcast_in_dim3A_99, %scan3A_160 = %broadcast_in_dim3A_99) -> (vector<16xf32>, vector<16xf32>, vector<16xf32>, vector<16xf32>, vector<16xf32>, vector<16xf32>, vector<16xf32>, vector<16xf32>)  : i32 {
      %get3A = arith.index_cast %scan3A_152 : i32 to index
      %get3A_161 = arith.constant 0 : index
      %get3A_162 = tpu.vector_load %arg7[%get3A, %get3A_161] {strides = array<i32>} : memref<200x128xf32, #tpu.memory_space<vmem>>, vector<16xf32>,
      %add3A_163 = arith.addf %scan3A_153, %get3A_162 : vector<16xf32>
      %get3A_164 = arith.index_cast %scan3A_152 : i32 to index
      %get3A_165 = arith.constant 16 : index
      %get3A_166 = tpu.vector_load %arg7[%get3A_164, %get3A_165] {strides = array<i32>} : memref<200x128xf32, #tpu.memory_space<vmem>>, vector<16xf32>,
      %add3A_167 = arith.addf %scan3A_154, %get3A_166 : vector<16xf32>
      %get3A_168 = arith.index_cast %scan3A_152 : i32 to index
      %get3A_169 = arith.constant 32 : index
      %get3A_170 = tpu.vector_load %arg7[%get3A_168, %get3A_169] {strides = array<i32>} : memref<200x128xf32, #tpu.memory_space<vmem>>, vector<16xf32>,
      %add3A_171 = arith.addf %scan3A_155, %get3A_170 : vector<16xf32>
      %get3A_172 = arith.index_cast %scan3A_152 : i32 to index
      %get3A_173 = arith.constant 48 : index
      %get3A_174 = tpu.vector_load %arg7[%get3A_172, %get3A_173] {strides = array<i32>} : memref<200x128xf32, #tpu.memory_space<vmem>>, vector<16xf32>,
      %add3A_175 = arith.addf %scan3A_156, %get3A_174 : vector<16xf32>
      %get3A_176 = arith.index_cast %scan3A_152 : i32 to index
      %get3A_177 = arith.constant 64 : index
      %get3A_178 = tpu.vector_load %arg7[%get3A_176, %get3A_177] {strides = array<i32>} : memref<200x128xf32, #tpu.memory_space<vmem>>, vector<16xf32>,
      %add3A_179 = arith.addf %scan3A_157, %get3A_178 : vector<16xf32>
      %get3A_180 = arith.index_cast %scan3A_152 : i32 to index
      %get3A_181 = arith.constant 80 : index
      %get3A_182 = tpu.vector_load %arg7[%get3A_180, %get3A_181] {strides = array<i32>} : memref<200x128xf32, #tpu.memory_space<vmem>>, vector<16xf32>,
      %add3A_183 = arith.addf %scan3A_158, %get3A_182 : vector<16xf32>
      %get3A_184 = arith.index_cast %scan3A_152 : i32 to index
      %get3A_185 = arith.constant 96 : index
      %get3A_186 = tpu.vector_load %arg7[%get3A_184, %get3A_185] {strides = array<i32>} : memref<200x128xf32, #tpu.memory_space<vmem>>, vector<16xf32>,
      %add3A_187 = arith.addf %scan3A_159, %get3A_186 : vector<16xf32>
      %get3A_188 = arith.index_cast %scan3A_152 : i32 to index
      %get3A_189 = arith.constant 112 : index
      %get3A_190 = tpu.vector_load %arg7[%get3A_188, %get3A_189] {strides = array<i32>} : memref<200x128xf32, #tpu.memory_space<vmem>>, vector<16xf32>,
      %add3A_191 = arith.addf %scan3A_160, %get3A_190 : vector<16xf32>
      scf.yield %add3A_163, %add3A_167, %add3A_171, %add3A_175, %add3A_179, %add3A_183, %add3A_187, %add3A_191 : vector<16xf32>, vector<16xf32>, vector<16xf32>, vector<16xf32>, vector<16xf32>, vector<16xf32>, vector<16xf32>, vector<16xf32>
    }
    %scan3A_105 = arith.constant 200 : i32
    %swap3A_106 = arith.constant 256 : index
    %swap3A_107 = tpu.vector_load %arg9[%swap3A_106] {strides = array<i32>} : memref<512xf32, #tpu.memory_space<vmem>>, vector<16xf32>,
    tpu.vector_store %arg9[%swap3A_106], %scan3A_104#0 {strides = array<i32>} : memref<512xf32, #tpu.memory_space<vmem>>, vector<16xf32>,
    %swap3A_108 = arith.constant 272 : index
    %swap3A_109 = tpu.vector_load %arg9[%swap3A_108] {strides = array<i32>} : memref<512xf32, #tpu.memory_space<vmem>>, vector<16xf32>,
    tpu.vector_store %arg9[%swap3A_108], %scan3A_104#1 {strides = array<i32>} : memref<512xf32, #tpu.memory_space<vmem>>, vector<16xf32>,
    %swap3A_110 = arith.constant 288 : index
    %swap3A_111 = tpu.vector_load %arg9[%swap3A_110] {strides = array<i32>} : memref<512xf32, #tpu.memory_space<vmem>>, vector<16xf32>,
    tpu.vector_store %arg9[%swap3A_110], %scan3A_104#2 {strides = array<i32>} : memref<512xf32, #tpu.memory_space<vmem>>, vector<16xf32>,
    %swap3A_112 = arith.constant 304 : index
    %swap3A_113 = tpu.vector_load %arg9[%swap3A_112] {strides = array<i32>} : memref<512xf32, #tpu.memory_space<vmem>>, vector<16xf32>,
    tpu.vector_store %arg9[%swap3A_112], %scan3A_104#3 {strides = array<i32>} : memref<512xf32, #tpu.memory_space<vmem>>, vector<16xf32>,
    %swap3A_114 = arith.constant 320 : index
    %swap3A_115 = tpu.vector_load %arg9[%swap3A_114] {strides = array<i32>} : memref<512xf32, #tpu.memory_space<vmem>>, vector<16xf32>,
    tpu.vector_store %arg9[%swap3A_114], %scan3A_104#4 {strides = array<i32>} : memref<512xf32, #tpu.memory_space<vmem>>, vector<16xf32>,
    %swap3A_116 = arith.constant 336 : index
    %swap3A_117 = tpu.vector_load %arg9[%swap3A_116] {strides = array<i32>} : memref<512xf32, #tpu.memory_space<vmem>>, vector<16xf32>,
    tpu.vector_store %arg9[%swap3A_116], %scan3A_104#5 {strides = array<i32>} : memref<512xf32, #tpu.memory_space<vmem>>, vector<16xf32>,
    %swap3A_118 = arith.constant 352 : index
    %swap3A_119 = tpu.vector_load %arg9[%swap3A_118] {strides = array<i32>} : memref<512xf32, #tpu.memory_space<vmem>>, vector<16xf32>,
    tpu.vector_store %arg9[%swap3A_118], %scan3A_104#6 {strides = array<i32>} : memref<512xf32, #tpu.memory_space<vmem>>, vector<16xf32>,
    %swap3A_120 = arith.constant 368 : index
    %swap3A_121 = tpu.vector_load %arg9[%swap3A_120] {strides = array<i32>} : memref<512xf32, #tpu.memory_space<vmem>>, vector<16xf32>,
    tpu.vector_store %arg9[%swap3A_120], %scan3A_104#7 {strides = array<i32>} : memref<512xf32, #tpu.memory_space<vmem>>, vector<16xf32>,
    %scan3A_122 = arith.constant 0 : i32
    %scan3A_123 = arith.constant 0 : i32
    %scan3A_124 = arith.constant 200 : i32
    %scan3A_125 = arith.addi %scan3A_123, %scan3A_124 : i32
    %scan3A_126 = arith.constant 1 : i32
    scf.for %scan3A_152 = %scan3A_123 to %scan3A_125 step %scan3A_126  : i32 {
      %dma_wait3A = arith.constant 0 : i32
      %dma_wait3A_153 = tpu.memref_slice %arg8[%scan3A_152, %dma_wait3A] : memref<200x128xf32, #tpu.memory_space<vmem>> -> memref<1x128xf32, #tpu.memory_space<vmem>>
      %dma_wait3A_154 = tpu.memref_squeeze %dma_wait3A_153 : memref<1x128xf32, #tpu.memory_space<vmem>> -> memref<128xf32, #tpu.memory_space<vmem>>
      %dma_wait3A_155 = arith.constant 0 : i32
      %dma_wait3A_156 = tpu.memref_slice %arg2[%dma_wait3A_155] : memref<1000000xf32, #tpu.memory_space<hbm>> -> memref<128xf32, #tpu.memory_space<hbm>>
      %dma_wait3A_157 = arith.constant 0 : i32
      %dma_wait3A_158 = tpu.memref_slice %arg8[%scan3A_152, %dma_wait3A_157] : memref<200x128xf32, #tpu.memory_space<vmem>> -> memref<1x128xf32, #tpu.memory_space<vmem>>
      %dma_wait3A_159 = tpu.memref_squeeze %dma_wait3A_158 : memref<1x128xf32, #tpu.memory_space<vmem>> -> memref<128xf32, #tpu.memory_space<vmem>>
      %dma_wait3A_160 = arith.constant 0 : i32
      %dma_wait3A_161 = tpu.memref_slice %arg2[%dma_wait3A_160] : memref<1000000xf32, #tpu.memory_space<hbm>> -> memref<128xf32, #tpu.memory_space<hbm>>
      tpu.wait_dma2 semaphore(%arg11 : memref<!tpu.dma_semaphore, #tpu.memory_space<semaphore_mem>>) src(%dma_wait3A_161 : memref<128xf32, #tpu.memory_space<hbm>>) dst(%dma_wait3A_159 : memref<128xf32, #tpu.memory_space<vmem>>)
    }
    %scan3A_127 = arith.constant 200 : i32
    %broadcast_in_dim3A_128 = arith.constant 0.000000e+00 : f32
    %broadcast_in_dim3A_129 = vector.broadcast %broadcast_in_dim3A_128 : f32 to vector<16xf32>
    %scan3A_130 = arith.constant 0 : i32
    %scan3A_131 = arith.constant 200 : i32
    %scan3A_132 = arith.addi %scan3A_130, %scan3A_131 : i32
    %scan3A_133 = arith.constant 1 : i32
    %scan3A_134:8 = scf.for %scan3A_152 = %scan3A_130 to %scan3A_132 step %scan3A_133 iter_args(%scan3A_153 = %broadcast_in_dim3A_129, %scan3A_154 = %broadcast_in_dim3A_129, %scan3A_155 = %broadcast_in_dim3A_129, %scan3A_156 = %broadcast_in_dim3A_129, %scan3A_157 = %broadcast_in_dim3A_129, %scan3A_158 = %broadcast_in_dim3A_129, %scan3A_159 = %broadcast_in_dim3A_129, %scan3A_160 = %broadcast_in_dim3A_129) -> (vector<16xf32>, vector<16xf32>, vector<16xf32>, vector<16xf32>, vector<16xf32>, vector<16xf32>, vector<16xf32>, vector<16xf32>)  : i32 {
      %get3A = arith.index_cast %scan3A_152 : i32 to index
      %get3A_161 = arith.constant 0 : index
      %get3A_162 = tpu.vector_load %arg8[%get3A, %get3A_161] {strides = array<i32>} : memref<200x128xf32, #tpu.memory_space<vmem>>, vector<16xf32>,
      %add3A_163 = arith.addf %scan3A_153, %get3A_162 : vector<16xf32>
      %get3A_164 = arith.index_cast %scan3A_152 : i32 to index
      %get3A_165 = arith.constant 16 : index
      %get3A_166 = tpu.vector_load %arg8[%get3A_164, %get3A_165] {strides = array<i32>} : memref<200x128xf32, #tpu.memory_space<vmem>>, vector<16xf32>,
      %add3A_167 = arith.addf %scan3A_154, %get3A_166 : vector<16xf32>
      %get3A_168 = arith.index_cast %scan3A_152 : i32 to index
      %get3A_169 = arith.constant 32 : index
      %get3A_170 = tpu.vector_load %arg8[%get3A_168, %get3A_169] {strides = array<i32>} : memref<200x128xf32, #tpu.memory_space<vmem>>, vector<16xf32>,
      %add3A_171 = arith.addf %scan3A_155, %get3A_170 : vector<16xf32>
      %get3A_172 = arith.index_cast %scan3A_152 : i32 to index
      %get3A_173 = arith.constant 48 : index
      %get3A_174 = tpu.vector_load %arg8[%get3A_172, %get3A_173] {strides = array<i32>} : memref<200x128xf32, #tpu.memory_space<vmem>>, vector<16xf32>,
      %add3A_175 = arith.addf %scan3A_156, %get3A_174 : vector<16xf32>
      %get3A_176 = arith.index_cast %scan3A_152 : i32 to index
      %get3A_177 = arith.constant 64 : index
      %get3A_178 = tpu.vector_load %arg8[%get3A_176, %get3A_177] {strides = array<i32>} : memref<200x128xf32, #tpu.memory_space<vmem>>, vector<16xf32>,
      %add3A_179 = arith.addf %scan3A_157, %get3A_178 : vector<16xf32>
      %get3A_180 = arith.index_cast %scan3A_152 : i32 to index
      %get3A_181 = arith.constant 80 : index
      %get3A_182 = tpu.vector_load %arg8[%get3A_180, %get3A_181] {strides = array<i32>} : memref<200x128xf32, #tpu.memory_space<vmem>>, vector<16xf32>,
      %add3A_183 = arith.addf %scan3A_158, %get3A_182 : vector<16xf32>
      %get3A_184 = arith.index_cast %scan3A_152 : i32 to index
      %get3A_185 = arith.constant 96 : index
      %get3A_186 = tpu.vector_load %arg8[%get3A_184, %get3A_185] {strides = array<i32>} : memref<200x128xf32, #tpu.memory_space<vmem>>, vector<16xf32>,
      %add3A_187 = arith.addf %scan3A_159, %get3A_186 : vector<16xf32>
      %get3A_188 = arith.index_cast %scan3A_152 : i32 to index
      %get3A_189 = arith.constant 112 : index
      %get3A_190 = tpu.vector_load %arg8[%get3A_188, %get3A_189] {strides = array<i32>} : memref<200x128xf32, #tpu.memory_space<vmem>>, vector<16xf32>,
      %add3A_191 = arith.addf %scan3A_160, %get3A_190 : vector<16xf32>
      scf.yield %add3A_163, %add3A_167, %add3A_171, %add3A_175, %add3A_179, %add3A_183, %add3A_187, %add3A_191 : vector<16xf32>, vector<16xf32>, vector<16xf32>, vector<16xf32>, vector<16xf32>, vector<16xf32>, vector<16xf32>, vector<16xf32>
    }
    %scan3A_135 = arith.constant 200 : i32
    %swap3A_136 = arith.constant 384 : index
    %swap3A_137 = tpu.vector_load %arg9[%swap3A_136] {strides = array<i32>} : memref<512xf32, #tpu.memory_space<vmem>>, vector<16xf32>,
    tpu.vector_store %arg9[%swap3A_136], %scan3A_134#0 {strides = array<i32>} : memref<512xf32, #tpu.memory_space<vmem>>, vector<16xf32>,
    %swap3A_138 = arith.constant 400 : index
    %swap3A_139 = tpu.vector_load %arg9[%swap3A_138] {strides = array<i32>} : memref<512xf32, #tpu.memory_space<vmem>>, vector<16xf32>,
    tpu.vector_store %arg9[%swap3A_138], %scan3A_134#1 {strides = array<i32>} : memref<512xf32, #tpu.memory_space<vmem>>, vector<16xf32>,
    %swap3A_140 = arith.constant 416 : index
    %swap3A_141 = tpu.vector_load %arg9[%swap3A_140] {strides = array<i32>} : memref<512xf32, #tpu.memory_space<vmem>>, vector<16xf32>,
    tpu.vector_store %arg9[%swap3A_140], %scan3A_134#2 {strides = array<i32>} : memref<512xf32, #tpu.memory_space<vmem>>, vector<16xf32>,
    %swap3A_142 = arith.constant 432 : index
    %swap3A_143 = tpu.vector_load %arg9[%swap3A_142] {strides = array<i32>} : memref<512xf32, #tpu.memory_space<vmem>>, vector<16xf32>,
    tpu.vector_store %arg9[%swap3A_142], %scan3A_134#3 {strides = array<i32>} : memref<512xf32, #tpu.memory_space<vmem>>, vector<16xf32>,
    %swap3A_144 = arith.constant 448 : index
    %swap3A_145 = tpu.vector_load %arg9[%swap3A_144] {strides = array<i32>} : memref<512xf32, #tpu.memory_space<vmem>>, vector<16xf32>,
    tpu.vector_store %arg9[%swap3A_144], %scan3A_134#4 {strides = array<i32>} : memref<512xf32, #tpu.memory_space<vmem>>, vector<16xf32>,
    %swap3A_146 = arith.constant 464 : index
    %swap3A_147 = tpu.vector_load %arg9[%swap3A_146] {strides = array<i32>} : memref<512xf32, #tpu.memory_space<vmem>>, vector<16xf32>,
    tpu.vector_store %arg9[%swap3A_146], %scan3A_134#5 {strides = array<i32>} : memref<512xf32, #tpu.memory_space<vmem>>, vector<16xf32>,
    %swap3A_148 = arith.constant 480 : index
    %swap3A_149 = tpu.vector_load %arg9[%swap3A_148] {strides = array<i32>} : memref<512xf32, #tpu.memory_space<vmem>>, vector<16xf32>,
    tpu.vector_store %arg9[%swap3A_148], %scan3A_134#6 {strides = array<i32>} : memref<512xf32, #tpu.memory_space<vmem>>, vector<16xf32>,
    %swap3A_150 = arith.constant 496 : index
    %swap3A_151 = tpu.vector_load %arg9[%swap3A_150] {strides = array<i32>} : memref<512xf32, #tpu.memory_space<vmem>>, vector<16xf32>,
    tpu.vector_store %arg9[%swap3A_150], %scan3A_134#7 {strides = array<i32>} : memref<512xf32, #tpu.memory_space<vmem>>, vector<16xf32>,
    "tpu.region"() ({
      %run_scoped3A = tpu.sem_alloc : memref<!tpu.dma_semaphore, #tpu.memory_space<semaphore_mem>>
      %dma_start3A = tpu.memref_slice %arg4[%mul3A_2] : memref<16384xf32, #tpu.memory_space<hbm>> -> memref<512xf32, #tpu.memory_space<hbm>>
      %dma_start3A_152 = tpu.memref_slice %arg4[%mul3A_2] : memref<16384xf32, #tpu.memory_space<hbm>> -> memref<512xf32, #tpu.memory_space<hbm>>
      tpu.enqueue_dma source(%arg9 : memref<512xf32, #tpu.memory_space<vmem>>) target(%dma_start3A_152 : memref<512xf32, #tpu.memory_space<hbm>>) target_semaphore(%run_scoped3A : memref<!tpu.dma_semaphore, #tpu.memory_space<semaphore_mem>>)
      %dma_wait3A = tpu.memref_slice %arg4[%mul3A_2] : memref<16384xf32, #tpu.memory_space<hbm>> -> memref<512xf32, #tpu.memory_space<hbm>>
      %dma_wait3A_153 = tpu.memref_slice %arg4[%mul3A_2] : memref<16384xf32, #tpu.memory_space<hbm>> -> memref<512xf32, #tpu.memory_space<hbm>>
      tpu.wait_dma2 semaphore(%run_scoped3A : memref<!tpu.dma_semaphore, #tpu.memory_space<semaphore_mem>>) src(%arg9 : memref<512xf32, #tpu.memory_space<vmem>>) dst(%dma_wait3A_153 : memref<512xf32, #tpu.memory_space<hbm>>)
      tpu.yield
    }) : () -> ()
    return
  }
}

module attributes {stable_mosaic.version = 14 : i64} {
  func.func @_tv_body(%arg0: i32, %arg1: memref<32x65536xf32, #tpu.memory_space<vmem>>, %arg2: memref<32x1xf32, #tpu.memory_space<vmem>>, %arg3: memref<1x1xf32, #tpu.memory_space<smem>>, %arg4: memref<65536xf32, #tpu.memory_space<vmem>>) attributes {dimension_semantics = [#tpu.dimension_semantics<arbitrary>], iteration_bounds = array<i64: 16>, scalar_prefetch = 0 : i64, scratch_operands = 0 : i64, tpu.core_type = #tpu.core_type<tc>, window_params = [{transform_indices = @transform_0, window_bounds = array<i64: 32, 65536>}, {pipeline_mode = #tpu.pipeline_mode<synchronous>, transform_indices = @transform_1, window_bounds = array<i64: 32, 1>}, {transform_indices = @transform_2, window_bounds = array<i64: 1, 1>}, {transform_indices = @transform_3, window_bounds = array<i64: 65536>}]} {
    %get3A = arith.constant 0 : index
    %get3A_0 = arith.constant 0 : index
    %get3A_1 = vector.load %arg1[%get3A, %get3A_0] : memref<32x65536xf32, #tpu.memory_space<vmem>>, vector<32x65536xf32>
    %get3A_2 = arith.constant 0 : index
    %get3A_3 = arith.constant 0 : index
    %get3A_4 = vector.load %arg2[%get3A_2, %get3A_3] : memref<32x1xf32, #tpu.memory_space<vmem>>, vector<32x1xf32>
    %mul3A = vector.broadcast %get3A_4 : vector<32x1xf32> to vector<32x65536xf32>
    %mul3A_5 = arith.mulf %get3A_1, %mul3A : vector<32x65536xf32>
    %reduce_sum3A = arith.constant dense<0.000000e+00> : vector<65536xf32>
    %reduce_sum3A_6 = vector.multi_reduction <add>, %mul3A_5, %reduce_sum3A [0] : vector<32x65536xf32> to vector<65536xf32>
    %get3A_7 = arith.constant 0 : index
    %get3A_8 = arith.constant 0 : index
    %get3A_9 = memref.load %arg3[%get3A_7, %get3A_8] : memref<1x1xf32, #tpu.memory_space<smem>>
    %add3A = vector.broadcast %get3A_9 : f32 to vector<65536xf32>
    %add3A_10 = arith.addf %reduce_sum3A_6, %add3A : vector<65536xf32>
    %swap3A = arith.constant 0 : index
    %swap3A_11 = vector.load %arg4[%swap3A] : memref<65536xf32, #tpu.memory_space<vmem>>, vector<65536xf32>
    tpu.vector_store %arg4[%swap3A], %add3A_10 {strides = array<i32>} : memref<65536xf32, #tpu.memory_space<vmem>>, vector<65536xf32>,
    return
  }
  func.func @transform_0(%arg0: i32) -> (i32, i32) {
    %c0_i32 = arith.constant 0 : i32
    %c0_i32_0 = arith.constant 0 : i32
    return %c0_i32, %arg0 : i32, i32
  }
  func.func @transform_1(%arg0: i32) -> (i32, i32) {
    %c0_i32 = arith.constant 0 : i32
    %c0_i32_0 = arith.constant 0 : i32
    %c0_i32_1 = arith.constant 0 : i32
    return %c0_i32, %c0_i32_0 : i32, i32
  }
  func.func @transform_2(%arg0: i32) -> (i32, i32) {
    %c0_i32 = arith.constant 0 : i32
    %c0_i32_0 = arith.constant 0 : i32
    %c0_i32_1 = arith.constant 0 : i32
    return %c0_i32, %c0_i32_0 : i32, i32
  }
  func.func @transform_3(%arg0: i32) -> i32 {
    %c0_i32 = arith.constant 0 : i32
    return %arg0 : i32
  }
}

</mosaic_0001>

<sc_bundles>
// kernel: kernel.4.cloned.1.call-start
scs
__scs_entry_jumppad:
0x0: {  	(pc) =	sbr.rel $0x88, $3  }
0x1: {  	(tag) =	ssettag $0x0;
	lr =	simm.s32 $0x1  }
0x2: {  	[smem:$0x3F9D] =	sst lr;
	_ =	strace $0xD0000000  }
0x3: {  	_ = 	snop  }
0x4: {  	_ = 	snop  }
0x5: {  	_ = 	snop  }
0x6: {  	_ = 	snop  }
0x7: {  	_ = 	snop  }
__scs_overlays_trampoline_lowered:
0x8: {  	[smem:$0x3FAC] =	sst s0  }
0x9: {  	[smem:$0x3FAD] =	sst s1  }
0xa: {  	[smem:$0x3FAE] =	sst s2  }
0xb: {  	[smem:$0x3FAF] =	sst s3  }
0xc: {  	[smem:$0x3FB0] =	sst s4  }
0xd: {  	[smem:$0x3FB1] =	sst s5  }
0xe: {  	[smem:$0x3FB2] =	sst s6  }
0xf: {  	[smem:$0x3FB3] =	sst s7  }
0x10: {  	[smem:$0x3FB4] =	sst s8  }
0x11: {  	[smem:$0x3FB5] =	sst s9;
	s0 =	simm.s32 @!p0 $0x0  }
0x12: {  	s1 =	sld [smem:$0x3F9B];
	s0 =	simm.s32 @p0 $0x1  }
0x13: {  	[smem:$0x3FB6] =	sst s0;
	s0 =	simm.s32 @!p1 $0x0  }
0x14: {  	s2 =	sld [smem:$0x3F9A];
	s0 =	simm.s32 @p1 $0x1  }
0x15: {  	[smem:$0x3FB7] =	sst s0;
	s0 =	simm.s32 @!p2 $0x0  }
0x16: {  	s3 =	sld [smem:$0x3FDB];
	s0 =	simm.s32 @p2 $0x1  }
0x17: {  	s4 =	simm.s32 $0x1BF5;
	[smem:$0x3FB9] =	sst s0  }
0x18: {  	s0 =	sld [smem:$0x3F9C];
	_ =	swait.ge [sflag:s4], $0x0  }
0x19: {  	s7 =	sld [smem:$0x3F9D]  }
0x1a: {  	s8 =	sadd.s32 $0xFFFFE003, lr  }
0x1b: {  	s9 =	sadd.s32 $0xFFFFFEF7, lr;
	s5 =	simm.s32 $0xFFFFFFFF;
	p2 =	slt.u32 s8, $0xFFFFF086  }
0x1c: {  	p1 =	slt.u32 s9, $0xF7A;
	s5 =	simm.s32 @!p2 $0x0  }
0x1d: {  	s5 =	simm.s32 @p1 $0x1;
	p0 =	seq.s32 s7, s2  }
0x1e: {  	s7 =	smul.u32 @!p0 $0xF7A, s2;
	p2 =	seq.s32 @!p0 s5, $0x0  }
0x1f: {  	s9 =	smul.u32 $0xF7A, s1;
	s8 =	simm.s32 @!p0 $0x1BF5;
	p2 =	por !p2, p0  }
0x20: {  	[sflag:s8] =	ssyncset.s32 @!p0 $0xFFFFF086;
	s6 =	sadd.s32 @!p0 s3, s7;
	s7 =	simm.s32 @!p0 $0x108  }
0x21: {  	s3 =	sadd.s32 s3, s9;
	s6 =	sadd.s32 @!p0 $0x88, s6;
	s7 =	simm.s32 @p2 $0x1082  }
0x22: {  	[simem:s7], [sflag:s8] =	dma.local @!p0 [hbm:s6], $0xF7A  }
0x23: {  	s9 =	sor.u32 $0xD0000000, s2;
	s6 =	simm.s32 $0x108;
	_ =	swait.ge @!p0 [sflag:s8], $0x0  }
0x24: {  	s3 =	sadd.s32 $0x88, s3;
	s6 =	simm.s32 @!p1 $0x1082;
	[sflag:s4] =	ssyncset.s32 $0xFFFFF086  }
0x25: {  	[simem:s6], [sflag:s4] =	dma.local [hbm:s3], $0xF7A  }
0x26: {  	[smem:$0x3F9D] =	sst s1;
	(tag) =	ssettag s2;
	_ =	strace s9  }
0x27: {  	s1 =	sld [smem:$0x3FAD]  }
0x28: {  	s2 =	sld [smem:$0x3FAE]  }
0x29: {  	s4 =	sld [smem:$0x3FB0]  }
0x2a: {  	p0 =	seq.s32 s5, $0x0;
	s5 =	sld [smem:$0x3FB1]  }
0x2b: {  	s6 =	sld [smem:$0x3FB2]  }
0x2c: {  	s7 =	sld [smem:$0x3FB3]  }
0x2d: {  	s3 =	simm.s32 $0x108;
	s8 =	sld [smem:$0x3FB4]  }
0x2e: {  	s3 =	simm.s32 @!p0 $0x1082;
	s9 =	sld [smem:$0x3FB5]  }
0x2f: {  	lr =	sadd.s32 s0, s3;
	s0 =	sld [smem:$0x3FAC]  }
0x30: {  	s3 =	sld [smem:$0x3FAF]  }
0x31: {  	[smem:$0x3FB8] =	sst s10  }
0x32: {  	s10 =	sld [smem:$0x3FB6];
	_ =	sdelay $0x3  }
0x33: {  	p0 =	seq.s32 s10, $0x1;
	s10 =	sld [smem:$0x3FB8];
	_ =	sdelay $0x3  }
0x34: {  	[smem:$0x3FB8] =	sst s10  }
0x35: {  	s10 =	sld [smem:$0x3FB7];
	_ =	sdelay $0x3  }
0x36: {  	p1 =	seq.s32 s10, $0x1;
	s10 =	sld [smem:$0x3FB8];
	_ =	sdelay $0x3  }
0x37: {  	[smem:$0x3FB8] =	sst s10  }
0x38: {  	s10 =	sld [smem:$0x3FB9]  }
0x39: {  	_ = 	snop;
	(pc) =	sbr.ind lr, $3  }
0x3a: {  	_ = 	snop  }
0x3b: {  	_ = 	snop  }
0x3c: {  	p2 =	seq.s32 s10, $0x1;
	s10 =	sld [smem:$0x3FB8]  }
0x3d: {  	_ =	shalt  }
0x3e: {  	_ =	shalt  }
0x3f: {  	_ =	shalt  }
0x40: {  	_ =	shalt  }
0x41: {  	_ =	shalt  }
0x42: {  	_ =	shalt  }
0x43: {  	_ =	shalt  }
0x44: {  	_ =	shalt  }
0x45: {  	_ =	shalt  }
0x46: {  	_ =	shalt  }
0x47: {  	_ =	shalt  }
0x48: {  	_ =	shalt  }
0x49: {  	_ =	shalt  }
0x4a: {  	_ =	shalt  }
0x4b: {  	_ =	shalt  }
0x4c: {  	_ =	shalt  }
0x4d: {  	_ =	shalt  }
0x4e: {  	_ =	shalt  }
0x4f: {  	_ =	shalt  }
0x50: {  	_ =	shalt  }
0x51: {  	_ =	shalt  }
0x52: {  	_ =	shalt  }
0x53: {  	_ =	shalt  }
0x54: {  	_ =	shalt  }
0x55: {  	_ =	shalt  }
0x56: {  	_ =	shalt  }
0x57: {  	_ =	shalt  }
0x58: {  	_ =	shalt  }
0x59: {  	_ =	shalt  }
0x5a: {  	_ =	shalt  }
0x5b: {  	_ =	shalt  }
0x5c: {  	_ =	shalt  }
0x5d: {  	_ =	shalt  }
0x5e: {  	_ =	shalt  }
0x5f: {  	_ =	shalt  }
0x60: {  	_ =	shalt  }
0x61: {  	_ =	shalt  }
0x62: {  	_ =	shalt  }
0x63: {  	_ =	shalt  }
0x64: {  	_ =	shalt  }
0x65: {  	_ =	shalt  }
0x66: {  	_ =	shalt  }
0x67: {  	_ =	shalt  }
0x68: {  	_ =	shalt  }
0x69: {  	_ =	shalt  }
0x6a: {  	_ =	shalt  }
0x6b: {  	_ =	shalt  }
0x6c: {  	_ =	shalt  }
0x6d: {  	_ =	shalt  }
0x6e: {  	_ =	shalt  }
0x6f: {  	_ =	shalt  }
0x70: {  	_ =	shalt  }
0x71: {  	_ =	shalt  }
0x72: {  	_ =	shalt  }
0x73: {  	_ =	shalt  }
0x74: {  	_ =	shalt  }
0x75: {  	_ =	shalt  }
0x76: {  	_ =	shalt  }
0x77: {  	_ =	shalt  }
0x78: {  	_ =	shalt  }
0x79: {  	_ =	shalt  }
0x7a: {  	_ =	shalt  }
0x7b: {  	_ =	shalt  }
0x7c: {  	_ =	shalt  }
0x7d: {  	_ =	shalt  }
0x7e: {  	_ =	shalt  }
0x7f: {  	_ =	shalt  }
0x80: {  	_ =	shalt  }
0x81: {  	_ =	shalt  }
0x82: {  	_ =	shalt  }
0x83: {  	_ =	shalt  }
0x84: {  	_ =	shalt  }
0x85: {  	_ =	shalt  }
0x86: {  	_ =	shalt  }
0x87: {  	_ =	shalt  }
.Lfunc_end0:
.L_simem_size_0:
called_computation_lowered:
.L_overlay_start_0:
0x88: {  	s2 =	sld [smem:$0x3FD9]  }
0x89: {  	s3 =	sld [smem:$0x3FFE];
	_ =	sdelay $0x1  }
0x8a: {  	s1 =	srdreg.scid  }
0x8b: {  	s0 =	sand.u32 $0x1, s1  }
0x8c: {  	s17 =	sshll.u32 s0, $0xA;
	s2 =	sadd.s32 s3, s2  }
0x8d: {  	s2 =	sadd.s32 s2, s17  }
0x8e: {  	[smem:$0x3FC4] =	sst s2  }
0x8f: {  	_ = 	snop  }
0x90: {  	s2 =	sld [smem:$0x3FC9]  }
0x91: {  	s18 =	sld [smem:$0x3FD0];
	(tm) =	ssettm $0x1  }
0x92: {  	s4 =	sld [smem:$0x3FFB];
	_ =	sdelay $0x3  }
0x93: {  	_ =	strace s4  }
0x94: {  	s4 =	sld [smem:$0x3FFC];
	_ =	sdelay $0x3  }
0x95: {  	_ =	strace s4  }
0x96: {  	s4 =	sld [smem:$0x3FFD];
	_ =	sdelay $0x3  }
0x97: {  	_ =	strace s4  }
0x98: {  	_ =	strace $0x8FFFFFFF  }
0x99: {  	s19 =	sld [smem:$0x3FDB];
	_ =	sdelay $0x1  }
0x9a: {  	s5 =	simm.s32 $_scs_section_size  }
0x9b: {  	s6 =	simm.s32 $_size__tile_overlayer_lowered;
	s7 =	simm.s32 $_tile_overlayer_lowered  }
0x9c: {  	s22 =	simm.s32 $0x1BFF;
	s21 =	sshll.u32 s7, $0x1;
	s4 =	sadd.s32 s5, s19  }
0x9d: {  	s8 =	simm.s32 $0x0;
	s20 =	sshll.u32 s6, $0x1;
	s6 =	sadd.s32 s21, s4  }
0x9e: {  	[timem:s8], [sflag:s22] =	dma.local [hbm:s6], s20  }
0x9f: {  	_ =	swait.ge [sflag:s22], s20  }
0xa0: {  	s5 =	ssub.s32 $0x0, s20;
	[sflag:s22] =	ssyncset.done $0x0  }
0xa1: {  	[sflag:s22] =	ssyncadd.s32 s5;
	_ =	sdelay $0x1  }
0xa2: {  	s23 =	simm.s32 $0x1B8B  }
0xa3: {  	_ =	swait.ge [sflag:s23], $0x1  }
0xa4: {  	[sflag:s23] =	ssyncset.done $0x0  }
0xa5: {  	s25 =	simm.s32 $0x1B8E;
	s24 =	sld [smem:$0x3FFE];
	[sflag:s23] =	ssyncadd.s32 $0xFFFFFFFF  }
0xa6: {  	s26 =	simm.s32 $execute0_lowered;
	[smem:$0x3FD2] =	sst s25  }
0xa7: {  	s6 =	sshll.u32 s26, $0x1;
	_ =	strace $0x80000046;
	[dreg:$0x1] =	wrdreg $0xFFFFFFFF  }
0xa8: {  	s28 =	simm.s32 $_size_execute0_lowered;
	s4 =	sadd.s32 s4, s6;
	[dreg:$0x0] =	wrdreg $0x0  }
0xa9: {  	s6 =	sshll.u32 s28, $0x1;
	[dreg:$0x2] =	wrdreg s4  }
0xaa: {  	[dreg:$0x3] =	wrdreg s6  }
0xab: {  	[dreg:$0x4] =	wrdreg $0xC0  }
0xac: {  	_ =	task [dreg:s8], $0x5FFFF  }
0xad: {  	[dreg:$0x1] =	wrdreg $0xFFFFFFFF  }
0xae: {  	[dreg:$0x0] =	wrdreg $0x60  }
0xaf: {  	[dreg:$0x2] =	wrdreg s24  }
0xb0: {  	[dreg:$0x3] =	wrdreg s2  }
0xb1: {  	[dreg:$0x4] =	wrdreg s18  }
0xb2: {  	[dreg:$0x5] =	wrdreg $0x9  }
0xb3: {  	_ =	task.clear_ibuf [dreg:s8], $0x6FFFF;
	_ =	strace $0x90000046  }
0xb4: {  	s29 =	simm.s32 $0x9;
	_ =	strace $0x80000048  }
0xb5: {  	_ =	swait.ge [sflag:s29], $0x1  }
0xb6: {  	[sflag:s29] =	ssyncadd.s32 $0xFFFFFFFF  }
0xb7: {  	_ =	strace $0x90000048  }
0xb8: {  	_ =	sfence  }
0xb9: {  	s30 =	sld [smem:$0x0];
	_ =	sdelay $0x2  }
0xba: {  	s31 =	sshll.u32 s1, $0xD;
	s1 =	sshrl.u32 s1, $0x2  }
0xbb: {  	s3 =	sand.u32 $0x4000, s31;
	s1 =	sadd.s32 s1, s30  }
0xbc: {  	s0 =	sor.u32 s3, s0;
	s1 =	sshll.u32 s1, $0x11  }
0xbd: {  	s0 =	sor.u32 s1, s0  }
0xbe: {  	s0 =	sadd.s32 $0x8F2B, s0  }
0xbf: {  	[sflag:s0] =	ssyncadd.remote.s32 $0x1  }
0xc0: {  	_ =	sfence.sel $0xFFFF  }
0xc1: {  	[dreg:$0x0] =	wrdreg $0xFFFFFFFF;
	(pc) =	sbr.abs _section_cstart, $3  }
0xc2: {  	[dreg:$0x1] =	wrdreg $0xFFFFFFFF  }
0xc3: {  	_ =	task.clear_ibuf [dreg:s8], $0x2FFFF;
	_ =	strace $0x9FFFFFFF  }
0xc4: {  	(tm) =	ssettm $0x7FFFFFFF  }
0xc5: {  	_ =	shalt  }
tec
execute0_lowered:
.L_overlay_start_1:
0x0: {  	(tag) =	ssettag $0x1  }
0x1: {  	s3 =	rddreg [dreg:$0x0]  }
0x2: {  	s4 =	rddreg [dreg:$0x1]  }
0x3: {  	s8 =	rddreg [dreg:$0x2]  }
0x4: {  	s0 =	rddreg [dreg:$0x3];
	s2 =	simm.s32 $0x0;
	s5 =	srdreg.scid  }
0x5: {  	s1 =	stileid.u32;
	s11 =	simm.s32 $0x20000;
	s12 =	simm.s32 $0x3  }
0x6: {  	s13 =	simm.s32 $0x80;
	s14 =	simm.s32 $0x6400;
	s15 =	simm.s32 $0x1  }
0x7: {  	s16 =	simm.s32 $0x2;
	s17 =	simm.s32 $0x19000;
	s18 =	simm.s32 $0x0  }
0x8: {  	[smem:$0x7FF] =	sst s2;
	s5 =	sand.u32 $0x1, s5;
	s7 =	sshll.u32 s1, $0xA  }
0x9: {  	s3 =	sadd.s32 $0x600, s3;
	s6 =	ssub.s32 $0x2, s5;
	s5 =	sshll.u32 s5, $0x9  }
0xa: {  	_ =	strace $0x80000047;
	s9 =	sshrl.u32 s6, $0x1;
	s7 =	sor.u32 s5, s7  }
0xb: {  	s9 =	ssub.s32 s6, s9;
	s4 =	sadd.s32 s4, s7;
	s10 =	sshrl.u32 s7, $0x3  }
0xc: {  	s5 =	sadd.s32 $0x80, s4;
	s6 =	sadd.s32 $0x100, s4;
	s7 =	sadd.s32 $0x180, s4  }
0xd: {  	s8 =	sadd.s32 s8, s10;
	s9 =	smax.u32 s9, $0x1;
	s10 =	simm.s32 $0x400  }
.LBB2_1:
0xe: {  	[tilespmem:s2], [sflag:$0x3] =	stream.strided.gather [hbm4b:s4+s10], $0x6400, s11, s10, $0x38;
	[tilespmem:$0x19200] =	vst v63  }
0xf: {  	_ =	swait.ge [sflag:s12], $0x6400  }
0x10: {  	s19 =	simm.s32 $0x200;
	[sflag:s12] =	ssyncset.done $0x0  }
0x11: {  	s20 =	simm.s32 $0x0;
	s21 =	simm.s32 $0xC800;
	[sflag:s12] =	ssyncadd.s32 $0xFFFF9C00  }
.LBB2_2:
0x12: {  	[tilespmem:s21], [sflag:$0x1] =	stream.indirect.gather [hbm4b:s3+s13], $0x1, s20, s13, $0xb8;
	[tilespmem:$0x19200] =	vst v63  }
0x13: {  	s20 =	smov.u32 s19;
	p0 =	sne.s32 s19, $0x18E00  }
.Ltmp0:
0x14: {  	s19 =	sadd.s32 $0x200, s19;
	(pc) =	sbr.rel @p0 .LBB2_2-.Ltmp0, $3  }
0x15: {  	_ =	sdelay $0x1  }
0x16: {  	s20 =	sshra.s32 s20, $0x2  }
0x17: {  	s21 =	sadd.s32 $0xC800, s20  }
0x18: {  	[tilespmem:s21], [sflag:$0x1] =	stream.indirect.gather [hbm4b:s3+s13], $0x1, s20, s13, $0xb8;
	[tilespmem:$0x19200] =	vst v63  }
0x19: {  	_ = 	snop  }
0x1a: {  	[tilespmem:s14], [sflag:$0x3] =	stream.strided.gather [hbm4b:s5+s10], $0x6400, s11, s10, $0x38;
	[tilespmem:$0x19200] =	vst v63  }
0x1b: {  	_ =	swait.ge [sflag:s12], $0x6400  }
0x1c: {  	[sflag:s12] =	ssyncset.done $0x0  }
0x1d: {  	s19 =	simm.s32 $0x0;
	[sflag:s12] =	ssyncadd.s32 $0xFFFF9C00  }
.LBB2_4:
0x1e: {  	p0 =	sne.s32 s19, $0x18E00  }
.Ltmp1:
0x1f: {  	_ = 	snop;
	(pc) =	sbr.rel @p0 .LBB2_4-.Ltmp1, $4  }
0x20: {  	_ = 	snop  }
0x21: {  	s20 =	sshra.s32 s19, $0x2  }
0x22: {  	s19 =	sadd.s32 $0x200, s19;
	s21 =	sadd.s32 $0x12C00, s20;
	s20 =	sadd.s32 $0x6400, s20  }
0x23: {  	[tilespmem:s21], [sflag:$0x2] =	stream.indirect.gather [hbm4b:s3+s13], $0x1, s20, s13, $0xb8;
	[tilespmem:$0x19200] =	vst v63  }
0x24: {  	s19 =	simm.s32 $0xC8  }
.LBB2_6:
0x25: {  	p0 =	sne.s32 s19, $0x1  }
.Ltmp2:
0x26: {  	_ = 	snop;
	(pc) =	sbr.rel @p0 .LBB2_6-.Ltmp2, $4  }
0x27: {  	_ = 	snop  }
0x28: {  	_ =	swait.ge [sflag:s15], $0x80  }
0x29: {  	[sflag:s15] =	ssyncset.done $0x0  }
0x2a: {  	s19 =	sadd.s32 $0xFFFFFFFF, s19;
	[sflag:s15] =	ssyncadd.s32 $0xFFFFFF80  }
0x2b: {  	s21 =	simm.s32 $0x0  }
0x2c: {  	v0 =	vld [tilespmem:s21+$0xC870]  }
0x2d: {  	v2 =	vld [tilespmem:s21+$0xC800]  }
0x2e: {  	v3 =	vld [tilespmem:s21+$0xC810]  }
0x2f: {  	v11 =	vld [tilespmem:s21+$0xC820]  }
0x30: {  	v10 =	vld [tilespmem:s21+$0xC830]  }
0x31: {  	v1 =	vimm.f32 $0.0e+00;
	v6 =	vimm.f32 $0.0e+00;
	v7 =	vld [tilespmem:s21+$0xC840]  }
0x32: {  	v8 =	vimm.f32 $0.0e+00;
	v4 =	vimm.f32 $0.0e+00;
	v9 =	vld [tilespmem:s21+$0xC850];
	v0 =	vadd.f32 v0, v1  }
0x33: {  	s19 =	simm.s32 $0x80;
	s20 =	simm.s32 $0x400;
	v12 =	vld [tilespmem:s21+$0xC860];
	v5 =	vadd.f32 v2, v1;
	v3 =	vadd.f32 v3, v1;
	v2 =	vimm.f32 $0.0e+00  }
.LBB2_8:
0x34: {  	p0 =	sne.s32 s20, $0x18E00;
	v13 =	vld [tilespmem:s19+$0xC870];
	v1 =	vadd.f32 v11, v1  }
0x35: {  	v14 =	vld [tilespmem:s19+$0xC800];
	v6 =	vadd.f32 v10, v6  }
0x36: {  	v15 =	vld [tilespmem:s19+$0xC810];
	v8 =	vadd.f32 v7, v8  }
.Ltmp3:
0x37: {  	v11 =	vld [tilespmem:s19+$0xC820];
	v4 =	vadd.f32 v9, v4;
	(pc) =	sbr.rel @p0 .LBB2_8-.Ltmp3, $4  }
0x38: {  	v10 =	vld [tilespmem:s19+$0xC830];
	v2 =	vadd.f32 v12, v2  }
0x39: {  	v7 =	vld [tilespmem:s19+$0xC840];
	v0 =	vadd.f32 v13, v0  }
0x3a: {  	v5 =	vadd.f32 v14, v5;
	v9 =	vld [tilespmem:s19+$0xC850]  }
0x3b: {  	v3 =	vadd.f32 v15, v3;
	v12 =	vld [tilespmem:s19+$0xC860];
	s19 =	sshra.s32 s20, $0x2;
	s20 =	sadd.s32 $0x200, s20  }
0x3c: {  	v14 =	vld [tilespmem:s19+$0xC800]  }
0x3d: {  	v15 =	vld [tilespmem:s19+$0xC810]  }
0x3e: {  	v16 =	vld [tilespmem:s19+$0xC820]  }
0x3f: {  	v17 =	vld [tilespmem:s19+$0xC830]  }
0x40: {  	v18 =	vld [tilespmem:s19+$0xC840]  }
0x41: {  	v1 =	vadd.f32 v11, v1;
	v59 =	vld [tilespmem:s19+$0xC850];
	v5 =	vadd.f32 v14, v5  }
0x42: {  	v13 =	vld [tilespmem:s19+$0xC870];
	v6 =	vadd.f32 v10, v6;
	v3 =	vadd.f32 v15, v3  }
0x43: {  	v60 =	vld [tilespmem:s19+$0xC860];
	v7 =	vadd.f32 v7, v8;
	v1 =	vadd.f32 v16, v1;
	[tilespmem:$0x19000] =	vst v5  }
0x44: {  	v4 =	vadd.f32 v9, v4;
	v61 =	vadd.f32 v17, v6;
	[tilespmem:$0x19010] =	vst v3  }
0x45: {  	v62 =	vadd.f32 v18, v7;
	[tilespmem:$0x19020] =	vst v1  }
0x46: {  	v2 =	vadd.f32 v12, v2;
	v63 =	vadd.f32 v59, v4;
	[tilespmem:$0x19030] =	vst v61  }
0x47: {  	v0 =	vadd.f32 v13, v0;
	[tilespmem:$0x19040] =	vst v62  }
0x48: {  	v2 =	vadd.f32 v60, v2;
	[tilespmem:$0x19050] =	vst v63  }
0x49: {  	[tilespmem:$0x19070] =	vst v0  }
0x4a: {  	s19 =	simm.s32 $0x0;
	[tilespmem:$0x19060] =	vst v2  }
0x4b: {  	[tilespmem:s19], [sflag:$0x3] =	stream.strided.gather [hbm4b:s6+s10], $0x6400, s11, s10, $0x38;
	[tilespmem:$0x19200] =	vst v63  }
0x4c: {  	_ =	swait.ge [sflag:s12], $0x6400  }
0x4d: {  	[sflag:s12] =	ssyncset.done $0x0  }
0x4e: {  	[sflag:s12] =	ssyncadd.s32 $0xFFFF9C00  }
.LBB2_10:
0x4f: {  	p0 =	sne.s32 s19, $0x18E00  }
.Ltmp4:
0x50: {  	_ = 	snop;
	(pc) =	sbr.rel @p0 .LBB2_10-.Ltmp4, $4  }
0x51: {  	_ = 	snop  }
0x52: {  	s20 =	sshra.s32 s19, $0x2  }
0x53: {  	s19 =	sadd.s32 $0x200, s19;
	s21 =	sadd.s32 $0xC800, s20  }
0x54: {  	[tilespmem:s21], [sflag:$0x1] =	stream.indirect.gather [hbm4b:s3+s13], $0x1, s20, s13, $0xb8;
	[tilespmem:$0x19200] =	vst v63  }
0x55: {  	s19 =	simm.s32 $0xC8  }
.LBB2_12:
0x56: {  	p0 =	sne.s32 s19, $0x1  }
.Ltmp5:
0x57: {  	_ = 	snop;
	(pc) =	sbr.rel @p0 .LBB2_12-.Ltmp5, $4  }
0x58: {  	_ = 	snop  }
0x59: {  	_ =	swait.ge [sflag:s16], $0x80  }
0x5a: {  	[sflag:s16] =	ssyncset.done $0x0  }
0x5b: {  	s19 =	sadd.s32 $0xFFFFFFFF, s19;
	[sflag:s16] =	ssyncadd.s32 $0xFFFFFF80  }
0x5c: {  	s21 =	simm.s32 $0x0  }
0x5d: {  	v0 =	vld [tilespmem:s21+$0x12C70]  }
0x5e: {  	v2 =	vld [tilespmem:s21+$0x12C00]  }
0x5f: {  	v3 =	vld [tilespmem:s21+$0x12C10]  }
0x60: {  	v11 =	vld [tilespmem:s21+$0x12C20]  }
0x61: {  	v10 =	vld [tilespmem:s21+$0x12C30]  }
0x62: {  	v1 =	vimm.f32 $0.0e+00;
	v6 =	vimm.f32 $0.0e+00;
	v7 =	vld [tilespmem:s21+$0x12C40]  }
0x63: {  	v8 =	vimm.f32 $0.0e+00;
	v4 =	vimm.f32 $0.0e+00;
	v9 =	vld [tilespmem:s21+$0x12C50];
	v0 =	vadd.f32 v0, v1  }
0x64: {  	s19 =	simm.s32 $0x80;
	s20 =	simm.s32 $0x400;
	v12 =	vld [tilespmem:s21+$0x12C60];
	v5 =	vadd.f32 v2, v1;
	v3 =	vadd.f32 v3, v1;
	v2 =	vimm.f32 $0.0e+00  }
.LBB2_14:
0x65: {  	p0 =	sne.s32 s20, $0x18E00;
	v13 =	vld [tilespmem:s19+$0x12C70];
	v1 =	vadd.f32 v11, v1  }
0x66: {  	v14 =	vld [tilespmem:s19+$0x12C00];
	v6 =	vadd.f32 v10, v6  }
0x67: {  	v15 =	vld [tilespmem:s19+$0x12C10];
	v8 =	vadd.f32 v7, v8  }
.Ltmp6:
0x68: {  	v11 =	vld [tilespmem:s19+$0x12C20];
	v4 =	vadd.f32 v9, v4;
	(pc) =	sbr.rel @p0 .LBB2_14-.Ltmp6, $4  }
0x69: {  	v10 =	vld [tilespmem:s19+$0x12C30];
	v2 =	vadd.f32 v12, v2  }
0x6a: {  	v7 =	vld [tilespmem:s19+$0x12C40];
	v0 =	vadd.f32 v13, v0  }
0x6b: {  	v5 =	vadd.f32 v14, v5;
	v9 =	vld [tilespmem:s19+$0x12C50]  }
0x6c: {  	v3 =	vadd.f32 v15, v3;
	v12 =	vld [tilespmem:s19+$0x12C60];
	s19 =	sshra.s32 s20, $0x2;
	s20 =	sadd.s32 $0x200, s20  }
0x6d: {  	v14 =	vld [tilespmem:s19+$0x12C00]  }
0x6e: {  	v15 =	vld [tilespmem:s19+$0x12C10]  }
0x6f: {  	v16 =	vld [tilespmem:s19+$0x12C20]  }
0x70: {  	v17 =	vld [tilespmem:s19+$0x12C30]  }
0x71: {  	v18 =	vld [tilespmem:s19+$0x12C40]  }
0x72: {  	v1 =	vadd.f32 v11, v1;
	v59 =	vld [tilespmem:s19+$0x12C50];
	v5 =	vadd.f32 v14, v5  }
0x73: {  	v13 =	vld [tilespmem:s19+$0x12C70];
	v6 =	vadd.f32 v10, v6;
	v3 =	vadd.f32 v15, v3  }
0x74: {  	v60 =	vld [tilespmem:s19+$0x12C60];
	v7 =	vadd.f32 v7, v8;
	v1 =	vadd.f32 v16, v1;
	[tilespmem:$0x19080] =	vst v5  }
0x75: {  	v4 =	vadd.f32 v9, v4;
	v61 =	vadd.f32 v17, v6;
	[tilespmem:$0x19090] =	vst v3  }
0x76: {  	v62 =	vadd.f32 v18, v7;
	[tilespmem:$0x190A0] =	vst v1  }
0x77: {  	v2 =	vadd.f32 v12, v2;
	v63 =	vadd.f32 v59, v4;
	[tilespmem:$0x190B0] =	vst v61  }
0x78: {  	v0 =	vadd.f32 v13, v0;
	[tilespmem:$0x190C0] =	vst v62  }
0x79: {  	v2 =	vadd.f32 v60, v2;
	[tilespmem:$0x190D0] =	vst v63  }
0x7a: {  	[tilespmem:$0x190F0] =	vst v0  }
0x7b: {  	[tilespmem:$0x190E0] =	vst v2  }
0x7c: {  	[tilespmem:s14], [sflag:$0x3] =	stream.strided.gather [hbm4b:s7+s10], $0x6400, s11, s10, $0x38;
	[tilespmem:$0x19200] =	vst v63  }
0x7d: {  	_ =	swait.ge [sflag:s12], $0x6400  }
0x7e: {  	[sflag:s12] =	ssyncset.done $0x0  }
0x7f: {  	s19 =	simm.s32 $0x0;
	[sflag:s12] =	ssyncadd.s32 $0xFFFF9C00  }
.LBB2_16:
0x80: {  	p0 =	sne.s32 s19, $0x18E00  }
.Ltmp7:
0x81: {  	_ = 	snop;
	(pc) =	sbr.rel @p0 .LBB2_16-.Ltmp7, $4  }
0x82: {  	_ = 	snop  }
0x83: {  	s20 =	sshra.s32 s19, $0x2  }
0x84: {  	s19 =	sadd.s32 $0x200, s19;
	s21 =	sadd.s32 $0x12C00, s20;
	s20 =	sadd.s32 $0x6400, s20  }
0x85: {  	[tilespmem:s21], [sflag:$0x2] =	stream.indirect.gather [hbm4b:s3+s13], $0x1, s20, s13, $0xb8;
	[tilespmem:$0x19200] =	vst v63  }
0x86: {  	s19 =	simm.s32 $0xC8  }
.LBB2_18:
0x87: {  	p0 =	sne.s32 s19, $0x1  }
.Ltmp8:
0x88: {  	_ = 	snop;
	(pc) =	sbr.rel @p0 .LBB2_18-.Ltmp8, $4  }
0x89: {  	_ = 	snop  }
0x8a: {  	_ =	swait.ge [sflag:s15], $0x80  }
0x8b: {  	[sflag:s15] =	ssyncset.done $0x0  }
0x8c: {  	s19 =	sadd.s32 $0xFFFFFFFF, s19;
	[sflag:s15] =	ssyncadd.s32 $0xFFFFFF80  }
0x8d: {  	s21 =	simm.s32 $0x0  }
0x8e: {  	v0 =	vld [tilespmem:s21+$0xC870]  }
0x8f: {  	v2 =	vld [tilespmem:s21+$0xC800]  }
0x90: {  	v3 =	vld [tilespmem:s21+$0xC810]  }
0x91: {  	v11 =	vld [tilespmem:s21+$0xC820]  }
0x92: {  	v10 =	vld [tilespmem:s21+$0xC830]  }
0x93: {  	v1 =	vimm.f32 $0.0e+00;
	v6 =	vimm.f32 $0.0e+00;
	v7 =	vld [tilespmem:s21+$0xC840]  }
0x94: {  	v8 =	vimm.f32 $0.0e+00;
	v4 =	vimm.f32 $0.0e+00;
	v9 =	vld [tilespmem:s21+$0xC850];
	v0 =	vadd.f32 v0, v1  }
0x95: {  	s19 =	simm.s32 $0x80;
	s20 =	simm.s32 $0x400;
	v12 =	vld [tilespmem:s21+$0xC860];
	v5 =	vadd.f32 v2, v1;
	v3 =	vadd.f32 v3, v1;
	v2 =	vimm.f32 $0.0e+00  }
.LBB2_20:
0x96: {  	p0 =	sne.s32 s20, $0x18E00;
	v13 =	vld [tilespmem:s19+$0xC870];
	v1 =	vadd.f32 v11, v1  }
0x97: {  	v14 =	vld [tilespmem:s19+$0xC800];
	v6 =	vadd.f32 v10, v6  }
0x98: {  	v15 =	vld [tilespmem:s19+$0xC810];
	v8 =	vadd.f32 v7, v8  }
.Ltmp9:
0x99: {  	v11 =	vld [tilespmem:s19+$0xC820];
	v4 =	vadd.f32 v9, v4;
	(pc) =	sbr.rel @p0 .LBB2_20-.Ltmp9, $4  }
0x9a: {  	v10 =	vld [tilespmem:s19+$0xC830];
	v2 =	vadd.f32 v12, v2  }
0x9b: {  	v7 =	vld [tilespmem:s19+$0xC840];
	v0 =	vadd.f32 v13, v0  }
0x9c: {  	v5 =	vadd.f32 v14, v5;
	v9 =	vld [tilespmem:s19+$0xC850]  }
0x9d: {  	v3 =	vadd.f32 v15, v3;
	v12 =	vld [tilespmem:s19+$0xC860];
	s19 =	sshra.s32 s20, $0x2;
	s20 =	sadd.s32 $0x200, s20  }
0x9e: {  	v14 =	vld [tilespmem:s19+$0xC800]  }
0x9f: {  	v15 =	vld [tilespmem:s19+$0xC810]  }
0xa0: {  	v16 =	vld [tilespmem:s19+$0xC820]  }
0xa1: {  	v17 =	vld [tilespmem:s19+$0xC830]  }
0xa2: {  	v18 =	vld [tilespmem:s19+$0xC840]  }
0xa3: {  	v1 =	vadd.f32 v11, v1;
	v59 =	vld [tilespmem:s19+$0xC850];
	v5 =	vadd.f32 v14, v5  }
0xa4: {  	v13 =	vld [tilespmem:s19+$0xC870];
	v6 =	vadd.f32 v10, v6;
	v3 =	vadd.f32 v15, v3  }
0xa5: {  	v60 =	vld [tilespmem:s19+$0xC860];
	v7 =	vadd.f32 v7, v8;
	v1 =	vadd.f32 v16, v1;
	[tilespmem:$0x19100] =	vst v5  }
0xa6: {  	v4 =	vadd.f32 v9, v4;
	v61 =	vadd.f32 v17, v6;
	[tilespmem:$0x19110] =	vst v3  }
0xa7: {  	v62 =	vadd.f32 v18, v7;
	[tilespmem:$0x19120] =	vst v1  }
0xa8: {  	v2 =	vadd.f32 v12, v2;
	v63 =	vadd.f32 v59, v4;
	[tilespmem:$0x19130] =	vst v61  }
0xa9: {  	v0 =	vadd.f32 v13, v0;
	[tilespmem:$0x19140] =	vst v62  }
0xaa: {  	v2 =	vadd.f32 v60, v2;
	[tilespmem:$0x19150] =	vst v63  }
0xab: {  	[tilespmem:$0x19170] =	vst v0  }
0xac: {  	s19 =	simm.s32 $0xC8;
	[tilespmem:$0x19160] =	vst v2  }
.LBB2_22:
0xad: {  	p0 =	sne.s32 s19, $0x1  }
.Ltmp10:
0xae: {  	_ = 	snop;
	(pc) =	sbr.rel @p0 .LBB2_22-.Ltmp10, $4  }
0xaf: {  	_ = 	snop  }
0xb0: {  	_ =	swait.ge [sflag:s16], $0x80  }
0xb1: {  	[sflag:s16] =	ssyncset.done $0x0  }
0xb2: {  	s19 =	sadd.s32 $0xFFFFFFFF, s19;
	[sflag:s16] =	ssyncadd.s32 $0xFFFFFF80  }
0xb3: {  	s21 =	simm.s32 $0x0  }
0xb4: {  	v0 =	vld [tilespmem:s21+$0x12C70]  }
0xb5: {  	v2 =	vld [tilespmem:s21+$0x12C00]  }
0xb6: {  	v3 =	vld [tilespmem:s21+$0x12C10]  }
0xb7: {  	v11 =	vld [tilespmem:s21+$0x12C20]  }
0xb8: {  	v10 =	vld [tilespmem:s21+$0x12C30]  }
0xb9: {  	v1 =	vimm.f32 $0.0e+00;
	v6 =	vimm.f32 $0.0e+00;
	v7 =	vld [tilespmem:s21+$0x12C40]  }
0xba: {  	v8 =	vimm.f32 $0.0e+00;
	v4 =	vimm.f32 $0.0e+00;
	v9 =	vld [tilespmem:s21+$0x12C50];
	v0 =	vadd.f32 v0, v1  }
0xbb: {  	s19 =	simm.s32 $0x80;
	s20 =	simm.s32 $0x400;
	v12 =	vld [tilespmem:s21+$0x12C60];
	v5 =	vadd.f32 v2, v1;
	v3 =	vadd.f32 v3, v1;
	v2 =	vimm.f32 $0.0e+00  }
.LBB2_24:
0xbc: {  	p0 =	sne.s32 s20, $0x18E00;
	v13 =	vld [tilespmem:s19+$0x12C70];
	v1 =	vadd.f32 v11, v1  }
0xbd: {  	v14 =	vld [tilespmem:s19+$0x12C00];
	v6 =	vadd.f32 v10, v6  }
0xbe: {  	v15 =	vld [tilespmem:s19+$0x12C10];
	v8 =	vadd.f32 v7, v8  }
.Ltmp11:
0xbf: {  	v11 =	vld [tilespmem:s19+$0x12C20];
	v4 =	vadd.f32 v9, v4;
	(pc) =	sbr.rel @p0 .LBB2_24-.Ltmp11, $4  }
0xc0: {  	v10 =	vld [tilespmem:s19+$0x12C30];
	v2 =	vadd.f32 v12, v2  }
0xc1: {  	v7 =	vld [tilespmem:s19+$0x12C40];
	v0 =	vadd.f32 v13, v0  }
0xc2: {  	v5 =	vadd.f32 v14, v5;
	v9 =	vld [tilespmem:s19+$0x12C50]  }
0xc3: {  	v3 =	vadd.f32 v15, v3;
	v12 =	vld [tilespmem:s19+$0x12C60];
	s19 =	sshra.s32 s20, $0x2;
	s20 =	sadd.s32 $0x200, s20  }
0xc4: {  	v14 =	vld [tilespmem:s19+$0x12C00]  }
0xc5: {  	v15 =	vld [tilespmem:s19+$0x12C10]  }
0xc6: {  	v16 =	vld [tilespmem:s19+$0x12C20]  }
0xc7: {  	v17 =	vld [tilespmem:s19+$0x12C30]  }
0xc8: {  	v18 =	vld [tilespmem:s19+$0x12C40]  }
0xc9: {  	v1 =	vadd.f32 v11, v1;
	v59 =	vld [tilespmem:s19+$0x12C50];
	v5 =	vadd.f32 v14, v5  }
0xca: {  	v13 =	vld [tilespmem:s19+$0x12C70];
	v6 =	vadd.f32 v10, v6;
	v3 =	vadd.f32 v15, v3  }
0xcb: {  	v60 =	vld [tilespmem:s19+$0x12C60];
	v7 =	vadd.f32 v7, v8;
	v1 =	vadd.f32 v16, v1;
	[tilespmem:$0x19180] =	vst v5  }
0xcc: {  	v4 =	vadd.f32 v9, v4;
	v61 =	vadd.f32 v17, v6;
	[tilespmem:$0x19190] =	vst v3  }
0xcd: {  	v62 =	vadd.f32 v18, v7;
	[tilespmem:$0x191A0] =	vst v1  }
0xce: {  	v2 =	vadd.f32 v12, v2;
	v63 =	vadd.f32 v59, v4;
	[tilespmem:$0x191B0] =	vst v61  }
0xcf: {  	v0 =	vadd.f32 v13, v0;
	[tilespmem:$0x191C0] =	vst v62  }
0xd0: {  	s18 =	sadd.s32 $0x1, s18;
	v2 =	vadd.f32 v60, v2;
	[tilespmem:$0x191D0] =	vst v63  }
0xd1: {  	p0 =	sne.s32 s18, s9;
	[tilespmem:$0x191F0] =	vst v0  }
.Ltmp12:
0xd2: {  	[tilespmem:$0x191E0] =	vst v2;
	(pc) =	sbr.rel @p0 .LBB2_1-.Ltmp12, $4  }
0xd3: {  	[hbm4b:s8+s2] =	stream.linear.scatter [tilespmem:s17], [sflag:$0x3], $0x200, $0x38;
	[tilespmem:$0x19200] =	vst v63  }
0xd4: {  	_ =	swait.ge [sflag:s12], $0x200  }
0xd5: {  	[sflag:s12] =	ssyncset.done $0x0  }
0xd6: {  	[sflag:s12] =	ssyncadd.s32 $0xFFFFFE00  }
0xd7: {  	_ =	sfence.sel $0x180000  }
0xd8: {  	[bflag:$0x0] =	sbarrier.arrive $0xFFFF  }
0xd9: {  	p0 =	sne.s32 s1, $0x0;
	_ =	strace $0x90000047  }
0xda: {  	s0 =	sadd.s32 @!p0 $0x100000, s0;
	[bflag:$0x2] =	sbarrier.arrive $0xFFFF  }
0xdb: {  	[sflag:s0] =	ssyncadd.tile.s32 @!p0 $0x1;
	_ =	shalt  }
.Lfunc_end2:
_tile_overlayer_lowered:
.L_overlay_start_2:
0xdc: {  	(tag) =	ssettag $0x2  }
0xdd: {  	s0 =	rddreg [dreg:$0x0];
	s2 =	stileid.u32  }
0xde: {  	s1 =	rddreg [dreg:$0x1];
	p0 =	sne.s32 s2, $0x0  }
0xdf: {  	s3 =	rddreg [dreg:$0x2];
	[bflag:$0x3] =	sbarrier.arrive $0xFFFF;
	s2 =	simm.s32 @!p0 $0x1C03  }
0xe0: {  	[timem:s3], [sflag:s2] =	dma.local @!p0 [hbm:s0], s1  }
0xe1: {  	s0 =	simm.s32 @!p0 $0x3  }
0xe2: {  	_ =	swait.ge @!p0 [sflag:s0], s1  }
0xe3: {  	s1 =	ssub.s32 @!p0 $0x0, s1;
	[sflag:s0] =	ssyncset.done @!p0 $0x0  }
0xe4: {  	[sflag:s0] =	ssyncadd.s32 @!p0 s1  }
0xe5: {  	[bflag:$0x3] =	sbarrier.arrive $0xFFFF  }
0xe6: {  	_ =	shalt  }

</sc_bundles>
